<compile_context>
chip_gen: v7x
topology: tpu7x:2x2x1
jax: 0.10.2.dev20260603
libtpu: 0.0.44.dev20260713+nightly
codegen_flags: <defaults>
</compile_context>

<pallas_src>
import functools

import jax
import jax.numpy as jnp
from jax import lax
from jax.experimental import pallas as pl
from jax.experimental.pallas import tpu as pltpu
from jax.experimental.pallas import tpu_sc as plsc

N = 10000
E = 160000
B = 64
D = 300
NL = 5
DP = 320
NQ = 2
DQ = DP // NQ
R = 1000

NSUB = 16
EPC = 64
NPH = 2
NCHP = 80
EPS_SUB = NPH * NCHP * EPC
NACC = N + 16
ZR = NACC // NSUB

NW = 32
HCH = 40

f32 = jnp.float32
i32 = jnp.int32



def _zero_fill(rows, nrows, ncols):
    zv = jnp.zeros((16,), f32)
    per_row = ncols // 16

    def zbody(t, carry):
        i = t // per_row
        k = t - i * per_row
        rows[i, pl.ds(k * 16, 16)] = zv
        return carry

    lax.fori_loop(0, nrows * per_row, zbody, 0)


def _zero_acc(rows, nrows, acc, s):
    for q in range(ZR // nrows):
        pltpu.sync_copy(rows, acc.at[pl.ds(s * ZR + q * nrows, nrows)])
    rem = ZR % nrows
    if rem:
        pltpu.sync_copy(rows.at[pl.ds(0, rem)],
                        acc.at[pl.ds(s * ZR + (ZR // nrows) * nrows, rem)])


NBUF_S = 4
NBUF_H = 8


def _gather_scatter_pass(table, idx_g, idx_d, bufs, gsems, tsems, acc, nch, nbuf):
    half = nbuf // 2
    for b in range(nbuf):
        pltpu.async_copy(table.at[idx_g.at[b]], bufs[b], gsems[b])

    def body(T, carry):
        for b in range(nbuf):
            j = T * nbuf + b
            pltpu.make_async_copy(table.at[idx_g.at[j]], bufs[b], gsems[b]).wait()
            b2 = (b + half) % nbuf

            @pl.when(jnp.logical_and(j >= half, j + half < nch))
            def _():
                pltpu.async_copy(table.at[idx_g.at[j + half]], bufs[b2], gsems[b2])
        return carry

    lax.fori_loop(0, nch // nbuf, body, 0)


def _sc_scatter(h_flat, srcg, dstg):
    mesh = plsc.VectorSubcoreMesh(core_axis_name="c", subcore_axis_name="s")

    @functools.partial(
        pl.kernel,
        mesh=mesh,
        out_type=jax.ShapeDtypeStruct((NQ, NACC, DQ), f32),
        compiler_params=pltpu.CompilerParams(use_tc_tiling_on_sc=False),
        scratch_types=(
            [pltpu.VMEM((NCHP, EPC), i32)] * 2
            + [pltpu.VMEM((EPC, DQ), f32)] * 2
            + [pltpu.VMEM_SHARED((NACC, DQ), f32)]
            + [pltpu.SemaphoreType.DMA] * 4
        ),
    )
    def scat(h_hbm, srcg_hbm, dstg_hbm, out_hbm,
             idx_s, idx_d, buf0, buf1, acc, g0, g1, t0, t1):
        c = lax.axis_index("c")
        s = lax.axis_index("s")
        _zero_fill(buf0, EPC, DQ)
        _zero_acc(buf0, EPC, acc, s)
        plsc.subcore_barrier()
        for p in range(NPH):
            pltpu.sync_copy(srcg_hbm.at[c, s, p], idx_s)
            pltpu.sync_copy(dstg_hbm.at[s, p], idx_d)
            _gather_scatter_pass(h_hbm, idx_s, idx_d, (buf0, buf1),
                                 (g0, g1), (t0, t1), acc, NCHP, 2)
        plsc.subcore_barrier()
        pltpu.sync_copy(acc.at[pl.ds(s * ZR, ZR)],
                        out_hbm.at[c, pl.ds(s * ZR, ZR)])

    return scat(h_flat, srcg, dstg)


def _sc_hist(onehot24, hsrc, hdst):
    mesh = plsc.VectorSubcoreMesh(core_axis_name="c", subcore_axis_name="s")

    @functools.partial(
        pl.kernel,
        mesh=mesh,
        out_type=jax.ShapeDtypeStruct((2, NACC, 16), f32),
        compiler_params=pltpu.CompilerParams(use_tc_tiling_on_sc=False),
        scratch_types=(
            [pltpu.VMEM((HCH, 128), i32)] * 2
            + [pltpu.VMEM((128, 16), f32)] * (NBUF_H + 1)
            + [pltpu.VMEM_SHARED((NACC, 16), f32)]
            + [pltpu.SemaphoreType.DMA] * (2 * NBUF_H)
        ),
    )
    def hist(t_hbm, hsrc_hbm, hdst_hbm, out_hbm, idx_s, idx_d, zbuf, *rest):
        bufs = rest[:NBUF_H]
        acc = rest[NBUF_H]
        gsems = rest[NBUF_H + 1:NBUF_H + 1 + NBUF_H]
        tsems = rest[NBUF_H + 1 + NBUF_H:]
        c = lax.axis_index("c")
        s = lax.axis_index("s")
        w = c * NSUB + s
        pltpu.sync_copy(hsrc_hbm.at[w], idx_s)
        pltpu.sync_copy(hdst_hbm.at[w], idx_d)
        _zero_fill(zbuf, 128, 16)
        _zero_acc(zbuf, 128, acc, s)
        plsc.subcore_barrier()
        _gather_scatter_pass(t_hbm, idx_s, idx_d, bufs, gsems, tsems,
                             acc, HCH, NBUF_H)
        plsc.subcore_barrier()
        pltpu.sync_copy(acc.at[pl.ds(s * ZR, ZR)],
                        out_hbm.at[c, pl.ds(s * ZR, ZR)])

    return hist(onehot24, hsrc, hdst)



def _embed_body(a_ref, c_ref, ae_ref, ce_ref, o_ref):
    h = jnp.dot(a_ref[...], ae_ref[...], preferred_element_type=f32)
    h = h + jnp.dot(c_ref[...], ce_ref[...], preferred_element_type=f32)
    for q in range(NQ):
        o_ref[q] = h[:, q * DQ:(q + 1) * DQ]


def _embed(onehotA, onehotC, atom_embp, chir_embp):
    return pl.pallas_call(
        _embed_body,
        grid=(N // R,),
        in_specs=[
            pl.BlockSpec((R, 128), lambda i: (i, 0)),
            pl.BlockSpec((R, 8), lambda i: (i, 0)),
            pl.BlockSpec((128, DP), lambda i: (0, 0)),
            pl.BlockSpec((8, DP), lambda i: (0, 0)),
        ],
        out_specs=pl.BlockSpec((NQ, R, DQ), lambda i: (0, i, 0)),
        out_shape=jax.ShapeDtypeStruct((NQ, N, DQ), f32),
    )(onehotA, onehotC, atom_embp, chir_embp)


def _mlp_body(s_ref, c_ref, v_ref, w1_ref, b1_ref, w2_ref, b2_ref,
              g_ref, be_ref, mu_ref, va_ref, o_ref, *, last):
    agg = jnp.concatenate([s_ref[q] for q in range(NQ)], axis=1)
    ch = c_ref[0] + c_ref[1]
    agg = agg + jnp.dot(ch, v_ref[...], preferred_element_type=f32)
    hm = jnp.dot(agg, w1_ref[...], preferred_element_type=f32) + b1_ref[...]
    hm = jax.nn.relu(hm)
    h2 = jnp.dot(hm, w2_ref[...], preferred_element_type=f32) + b2_ref[...]
    inv = lax.rsqrt(va_ref[...] + 1e-5)
    h2 = (h2 - mu_ref[...]) * inv * g_ref[...] + be_ref[...]
    if not last:
        h2 = jax.nn.relu(h2)
    for q in range(NQ):
        o_ref[q] = h2[:, q * DQ:(q + 1) * DQ]


def _mlp(S, C, Vl, W1p, b1p, W2p, b2p, g, be, mu, va, last):
    return pl.pallas_call(
        functools.partial(_mlp_body, last=last),
        grid=(N // R,),
        in_specs=[
            pl.BlockSpec((NQ, R, DQ), lambda i: (0, i, 0)),
            pl.BlockSpec((2, R, 16), lambda i: (0, i, 0)),
            pl.BlockSpec((16, DP), lambda i: (0, 0)),
            pl.BlockSpec((DP, 2 * DP), lambda i: (0, 0)),
            pl.BlockSpec((1, 2 * DP), lambda i: (0, 0)),
            pl.BlockSpec((2 * DP, DP), lambda i: (0, 0)),
            pl.BlockSpec((1, DP), lambda i: (0, 0)),
            pl.BlockSpec((1, DP), lambda i: (0, 0)),
            pl.BlockSpec((1, DP), lambda i: (0, 0)),
            pl.BlockSpec((1, DP), lambda i: (0, 0)),
            pl.BlockSpec((1, DP), lambda i: (0, 0)),
        ],
        out_specs=pl.BlockSpec((NQ, R, DQ), lambda i: (0, i, 0)),
        out_shape=jax.ShapeDtypeStruct((NQ, N, DQ), f32),
    )(S, C, Vl, W1p, b1p, W2p, b2p, g, be, mu, va)


def _cnn_body(x_ref, w1_ref, b1_ref, w2_ref, b2_ref, w3_ref, b3_ref, o_ref):
    x = x_ref[0]
    xc1 = jnp.concatenate([x[:, k:k + 997] for k in range(4)], axis=0)
    y1 = jnp.dot(w1_ref[...], xc1, preferred_element_type=f32) + b1_ref[...]
    y1 = jax.nn.relu(y1)
    xc2 = jnp.concatenate([y1[:, k:k + 990] for k in range(8)], axis=0)
    y2 = jnp.dot(w2_ref[...], xc2, preferred_element_type=f32) + b2_ref[...]
    y2 = jax.nn.relu(y2)
    xc3 = jnp.concatenate([y2[:, k:k + 979] for k in range(12)], axis=0)
    y3 = jnp.dot(w3_ref[...], xc3, preferred_element_type=f32) + b3_ref[...]
    y3 = jax.nn.relu(y3)
    o_ref[...] = jnp.max(y3, axis=1)[None, None, :]


def _cnn(v_P, W1f, bc1, W2f, bc2, W3f, bc3):
    return pl.pallas_call(
        _cnn_body,
        grid=(B,),
        in_specs=[
            pl.BlockSpec((1, 7, 1000), lambda i: (i, 0, 0)),
            pl.BlockSpec((32, 28), lambda i: (0, 0)),
            pl.BlockSpec((32, 1), lambda i: (0, 0)),
            pl.BlockSpec((64, 256), lambda i: (0, 0)),
            pl.BlockSpec((64, 1), lambda i: (0, 0)),
            pl.BlockSpec((96, 768), lambda i: (0, 0)),
            pl.BlockSpec((96, 1), lambda i: (0, 0)),
        ],
        out_specs=pl.BlockSpec((1, 1, 96), lambda i: (i, 0, 0)),
        out_shape=jax.ShapeDtypeStruct((B, 1, 96), f32),
    )(v_P, W1f, bc1, W2f, bc2, W3f, bc3)


def _pool_body(h_ref, p_ref, s_ref, c_ref):
    i = pl.program_id(0)

    @pl.when(i == 0)
    def _():
        s_ref[...] = jnp.zeros_like(s_ref)
        c_ref[...] = jnp.zeros_like(c_ref)

    h = jnp.concatenate([h_ref[q] for q in range(NQ)], axis=1)
    p = p_ref[...]
    s_ref[...] += lax.dot_general(p, h, (((0,), (0,)), ((), ())),
                                  preferred_element_type=f32)
    c_ref[...] += jnp.broadcast_to(jnp.sum(p, axis=0)[None, :], (8, B))


def _pool(h, P):
    return pl.pallas_call(
        _pool_body,
        grid=(N // R,),
        in_specs=[
            pl.BlockSpec((NQ, R, DQ), lambda i: (0, i, 0)),
            pl.BlockSpec((R, B), lambda i: (i, 0)),
        ],
        out_specs=[
            pl.BlockSpec((B, DP), lambda i: (0, 0)),
            pl.BlockSpec((8, B), lambda i: (0, 0)),
        ],
        out_shape=[
            jax.ShapeDtypeStruct((B, DP), f32),
            jax.ShapeDtypeStruct((8, B), f32),
        ],
    )(h, P)


def _head_body(s_ref, c_ref, q_ref, wt_ref, bt_ref, wq_ref, bq_ref,
               w1_ref, b1_ref, w2_ref, b2_ref, w3_ref, b3_ref, w4_ref, b4_ref,
               o_ref):
    counts = c_ref[0]
    gf = s_ref[...] / jnp.maximum(counts, 1.0)[:, None]
    vD = jnp.dot(gf, wt_ref[...], preferred_element_type=f32) + bt_ref[...]
    vP = jnp.dot(q_ref[...], wq_ref[...], preferred_element_type=f32) + bq_ref[...]
    vf = jnp.concatenate([vD, vP], axis=1)
    x = jax.nn.relu(jnp.dot(vf, w1_ref[...], preferred_element_type=f32) + b1_ref[...])
    x = jax.nn.relu(jnp.dot(x, w2_ref[...], preferred_element_type=f32) + b2_ref[...])
    x = jax.nn.relu(jnp.dot(x, w3_ref[...], preferred_element_type=f32) + b3_ref[...])
    o_ref[...] = jnp.dot(x, w4_ref[...], preferred_element_type=f32) + b4_ref[...]


def _head(sums, cnts, cnnp, Wtp, bt, Wfct, bfct, Wf1, bf1, Wf2, bf2, Wf3, bf3, Wf4, bf4):
    return pl.pallas_call(
        _head_body,
        out_shape=jax.ShapeDtypeStruct((B, 1), f32),
    )(sums, cnts, cnnp, Wtp, bt[None], Wfct, bfct[None],
      Wf1, bf1[None], Wf2, bf2[None], Wf3, bf3[None], Wf4, bf4[None])



def kernel(atomic_number, chirality_type, edge_index, bond_type, bond_direction_type, graph_ids, v_P, atom_emb, chir_emb, bond_embs, dir_embs, W1s, b1s, W2s, b2s, bn_gamma, bn_beta, bn_mean, bn_var, Wt, bt, Wc1, bc1, Wc2, bc2, Wc3, bc3, Wfct, bfct, Wf1, bf1, Wf2, bf2, Wf3, bf3, Wf4, bf4):
    src = edge_index[0].astype(i32)
    dst = edge_index[1].astype(i32)
    bt_i = bond_type.astype(i32)
    bd_i = bond_direction_type.astype(i32)

    pad_c = DP - D
    onehotA = (atomic_number[:, None] == jnp.arange(128)).astype(f32)
    onehotC = (chirality_type[:, None] == jnp.arange(8)).astype(f32)
    atom_embp = jnp.pad(atom_emb, ((0, 8), (0, pad_c)))
    chir_embp = jnp.pad(chir_emb, ((0, 5), (0, pad_c)))
    W1p = jnp.pad(W1s, ((0, 0), (0, pad_c), (0, 2 * pad_c)))
    b1p = jnp.pad(b1s, ((0, 0), (0, 2 * pad_c)))
    W2p = jnp.pad(W2s, ((0, 0), (0, 2 * pad_c), (0, pad_c)))
    b2p = jnp.pad(b2s, ((0, 0), (0, pad_c)))
    gp = jnp.pad(bn_gamma, ((0, 0), (0, pad_c)))
    bep = jnp.pad(bn_beta, ((0, 0), (0, pad_c)))
    mup = jnp.pad(bn_mean, ((0, 0), (0, pad_c)))
    vap = jnp.pad(bn_var, ((0, 0), (0, pad_c)), constant_values=1.0)
    Vl_all = jnp.concatenate(
        [jnp.pad(bond_embs, ((0, 0), (0, 0), (0, pad_c))),
         jnp.pad(dir_embs, ((0, 0), (0, 0), (0, pad_c))),
         jnp.zeros((NL, 7, DP))], axis=1)
    P = (graph_ids[:, None] == jnp.arange(B)).astype(f32)
    Wtp = jnp.pad(Wt, ((0, pad_c), (0, 0)))
    W1f = Wc1.transpose(0, 2, 1).reshape(32, 28)
    W2f = Wc2.transpose(0, 2, 1).reshape(64, 256)
    W3f = Wc3.transpose(0, 2, 1).reshape(96, 768)

    srcp = jnp.pad(src.reshape(NSUB, E // NSUB),
                   ((0, 0), (0, EPS_SUB - E // NSUB)))
    srcg = jnp.stack([srcp, srcp + N]).reshape(2, NSUB, NPH, NCHP, EPC)
    dstg = jnp.pad(dst.reshape(NSUB, E // NSUB),
                   ((0, 0), (0, EPS_SUB - E // NSUB)),
                   constant_values=N).reshape(NSUB, NPH, NCHP, EPC)
    hidx = bt_i * 3 + bd_i
    hsrc = jnp.pad(hidx.reshape(NW, E // NW),
                   ((0, 0), (0, HCH * 128 - E // NW))).reshape(NW, HCH, 128)
    hdst = jnp.pad(dst.reshape(NW, E // NW),
                   ((0, 0), (0, HCH * 128 - E // NW)),
                   constant_values=N).reshape(NW, HCH, 128)
    r18 = jnp.arange(18)
    onehot24 = (jnp.zeros((24, 16), f32)
                .at[r18, r18 // 3].set(1.0)
                .at[r18, 6 + r18 % 3].add(1.0))

    h = jnp.zeros((NQ, N, DQ), f32)
    S = None
    for l in range(NL):
        S = _sc_scatter(h.reshape(NQ * N, DQ), srcg, dstg)
    return S[:, :1, :1]

# --- scband reference (transcript-rebuilt; emitter-appended) ---
"""Pipeline reference for scband-cnn-gin-attr-masking-66279935312655 (READ-ONLY COPY).

The authoritative reference and input builder live on the scoring server;
editing this copy changes nothing except your own understanding.
"""

import jax, jax.numpy as jnp
import numpy as np

N = 10000
E = 160000
B = 64
D = 300
NL = 5

def setup_inputs(seed: int = 0):
    key = jax.random.key(seed)
    def k(i):
        return jax.random.fold_in(key, i)
    s = 0.05
    inp = {}
    inp['atomic_number'] = jax.random.randint(k(0), (N,), 0, 120)
    inp['chirality_type'] = jax.random.randint(k(1), (N,), 0, 3)
    inp['edge_index'] = jax.random.randint(k(2), (2, E), 0, N)
    inp['bond_type'] = jax.random.randint(k(3), (E,), 0, 6)
    inp['bond_direction_type'] = jax.random.randint(k(4), (E,), 0, 3)
    inp['graph_ids'] = jnp.sort(jax.random.randint(k(5), (N,), 0, B))
    inp['v_P'] = jax.random.normal(k(6), (B, 7, 1000), dtype=jnp.float32)
    inp['atom_emb'] = jax.random.normal(k(7), (120, D)) * s
    inp['chir_emb'] = jax.random.normal(k(8), (3, D)) * s
    inp['bond_embs'] = jax.random.normal(k(9), (NL, 6, D)) * s
    inp['dir_embs'] = jax.random.normal(k(10), (NL, 3, D)) * s
    inp['W1s'] = jax.random.normal(k(11), (NL, D, 2 * D)) * s
    inp['b1s'] = jnp.zeros((NL, 2 * D))
    inp['W2s'] = jax.random.normal(k(12), (NL, 2 * D, D)) * s
    inp['b2s'] = jnp.zeros((NL, D))
    inp['bn_gamma'] = jnp.ones((NL, D))
    inp['bn_beta'] = jnp.zeros((NL, D))
    inp['bn_mean'] = jnp.zeros((NL, D))
    inp['bn_var'] = jnp.ones((NL, D))
    inp['Wt'] = jax.random.normal(k(13), (D, 256)) * s
    inp['bt'] = jnp.zeros((256,))
    inp['Wc1'] = jax.random.normal(k(14), (32, 7, 4)) * s
    inp['bc1'] = jnp.zeros((32,))
    inp['Wc2'] = jax.random.normal(k(15), (64, 32, 8)) * s
    inp['bc2'] = jnp.zeros((64,))
    inp['Wc3'] = jax.random.normal(k(16), (96, 64, 12)) * s
    inp['bc3'] = jnp.zeros((96,))
    inp['Wfct'] = jax.random.normal(k(17), (96, 256)) * s
    inp['bfct'] = jnp.zeros((256,))
    inp['Wf1'] = jax.random.normal(k(18), (512, 1024)) * s
    inp['bf1'] = jnp.zeros((1024,))
    inp['Wf2'] = jax.random.normal(k(19), (1024, 1024)) * s
    inp['bf2'] = jnp.zeros((1024,))
    inp['Wf3'] = jax.random.normal(k(20), (1024, 512)) * s
    inp['bf3'] = jnp.zeros((512,))
    inp['Wf4'] = jax.random.normal(k(21), (512, 1)) * s
    inp['bf4'] = jnp.zeros((1,))
    return inp

def _conv1d(x, w, b):
    y = jax.lax.conv_general_dilated(x, w, (1,), 'VALID', dimension_numbers=('NCH', 'OIH', 'NCH'))
    return y + b[None, :, None]

def _forward(v_P, atom_emb, chir_emb, bond_embs, dir_embs, W1s, b1s, W2s, b2s, bn_gamma, bn_beta, bn_mean, bn_var, Wt, bt, Wc1, bc1, Wc2, bc2, Wc3, bc3, Wfct, bfct, Wf1, bf1, Wf2, bf2, Wf3, bf3, Wf4, bf4, atomic_number, chirality_type, edge_index, bond_type, bond_direction_type, graph_ids):
    src = edge_index[0]
    dst = edge_index[1]
    h = atom_emb[atomic_number] + chir_emb[chirality_type]
    for l in range(NL):
        e = bond_embs[l][bond_type] + dir_embs[l][bond_direction_type]
        m = h[src] + e
        agg = jnp.zeros_like(h).at[dst].add(m)
        hmid = jax.nn.relu(agg @ W1s[l] + b1s[l])
        h2 = hmid @ W2s[l] + b2s[l]
        h2 = (h2 - bn_mean[l]) / jnp.sqrt(bn_var[l] + 1e-5) * bn_gamma[l] + bn_beta[l]
        if l == NL - 1:
            h = h2
        else:
            h = jax.nn.relu(h2)
    sums = jax.ops.segment_sum(h, graph_ids, num_segments=B)
    counts = jax.ops.segment_sum(jnp.ones((h.shape[0], 1), dtype=h.dtype), graph_ids, num_segments=B)
    graph_feats = sums / jnp.maximum(counts, 1.0)
    vD = graph_feats @ Wt + bt
    x = jax.nn.relu(_conv1d(v_P, Wc1, bc1))
    x = jax.nn.relu(_conv1d(x, Wc2, bc2))
    x = jax.nn.relu(_conv1d(x, Wc3, bc3))
    x = jnp.max(x, axis=2)
    vP = x @ Wfct + bfct
    vf = jnp.concatenate([vD, vP], axis=1)
    vf = jax.nn.relu(vf @ Wf1 + bf1)
    vf = jax.nn.relu(vf @ Wf2 + bf2)
    vf = jax.nn.relu(vf @ Wf3 + bf3)
    return vf @ Wf4 + bf4

def reference(atomic_number, chirality_type, edge_index, bond_type, bond_direction_type, graph_ids, v_P, atom_emb, chir_emb, bond_embs, dir_embs, W1s, b1s, W2s, b2s, bn_gamma, bn_beta, bn_mean, bn_var, Wt, bt, Wc1, bc1, Wc2, bc2, Wc3, bc3, Wfct, bfct, Wf1, bf1, Wf2, bf2, Wf3, bf3, Wf4, bf4):
    return _forward(v_P, atom_emb, chir_emb, bond_embs, dir_embs, W1s, b1s, W2s, b2s, bn_gamma, bn_beta, bn_mean, bn_var, Wt, bt, Wc1, bc1, Wc2, bc2, Wc3, bc3, Wfct, bfct, Wf1, bf1, Wf2, bf2, Wf3, bf3, Wf4, bf4, atomic_number, chirality_type, edge_index, bond_type, bond_direction_type, graph_ids)

if __name__ == "__main__":
    import jax
    _d = setup_inputs()
    print(jax.jit(kernel)(*tuple(_d.values())))

</pallas_src>

<mosaic_0001>
#map = affine_map<(d0, d1) -> (0, 0)>
#map1 = affine_map<(d0, d1) -> (0, 0, 0, 0, 0)>
#map2 = affine_map<(d0, d1) -> (0, 0, 0, 0)>
#map3 = affine_map<(d0, d1) -> (0, 0, 0)>
module attributes {stable_mosaic.version = 14 : i64} {
  func.func @scat(%arg0: i32, %arg1: i32, %arg2: memref<20000x160xf32, #tpu.memory_space<hbm>>, %arg3: memref<2x16x2x80x64xi32, #tpu.memory_space<hbm>>, %arg4: memref<16x2x80x64xi32, #tpu.memory_space<hbm>>, %arg5: memref<2x10016x160xf32, #tpu.memory_space<hbm>>, %arg6: memref<80x64xi32, #tpu.memory_space<vmem>>, %arg7: memref<80x64xi32, #tpu.memory_space<vmem>>, %arg8: memref<64x160xf32, #tpu.memory_space<vmem>>, %arg9: memref<64x160xf32, #tpu.memory_space<vmem>>, %arg10: memref<10016x160xf32, #tpu.memory_space<vmem_shared>>, %arg11: memref<!tpu.dma_semaphore, #tpu.memory_space<semaphore_mem>>, %arg12: memref<!tpu.dma_semaphore, #tpu.memory_space<semaphore_mem>>, %arg13: memref<!tpu.dma_semaphore, #tpu.memory_space<semaphore_mem>>, %arg14: memref<!tpu.dma_semaphore, #tpu.memory_space<semaphore_mem>>) attributes {dimension_semantics = [#tpu.dimension_semantics<core_parallel>, #tpu.dimension_semantics<subcore_parallel>], iteration_bounds = array<i64: 2, 16>, scalar_prefetch = 0 : i64, scratch_operands = 9 : i64, tpu.core_type = #tpu.core_type<sc_vector_subcore>, window_params = [{transform_indices = #map}, {transform_indices = #map1}, {transform_indices = #map2}, {transform_indices = #map3}]} {
    %broadcast_in_dim3A = arith.constant 0.000000e+00 : f32
    %broadcast_in_dim3A_0 = vector.broadcast %broadcast_in_dim3A : f32 to vector<16xf32>
    %scan3A = arith.constant 0 : i32
    %scan3A_1 = arith.constant 0 : i32
    %scan3A_2 = arith.constant 640 : i32
    %scan3A_3 = arith.addi %scan3A_1, %scan3A_2 : i32
    %scan3A_4 = arith.constant 1 : i32
    scf.for %scan3A_91 = %scan3A_1 to %scan3A_3 step %scan3A_4  : i32 {
      %jit3A = arith.constant 10 : i32
      %div3A = arith.divsi %scan3A_91, %jit3A : i32
      %sign3A = arith.constant 0 : i32
      %sign3A_92 = arith.cmpi sgt, %scan3A_91, %sign3A : i32
      %sign3A_93 = arith.extui %sign3A_92 : i1 to i32
      %sign3A_94 = arith.constant 0 : i32
      %sign3A_95 = arith.cmpi slt, %scan3A_91, %sign3A_94 : i32
      %sign3A_96 = arith.extui %sign3A_95 : i1 to i32
      %sign3A_97 = arith.subi %sign3A_93, %sign3A_96 : i32
      %sign3A_98 = arith.constant 0 : i32
      %sign3A_99 = arith.cmpi sgt, %jit3A, %sign3A_98 : i32
      %sign3A_100 = arith.extui %sign3A_99 : i1 to i32
      %sign3A_101 = arith.constant 0 : i32
      %sign3A_102 = arith.cmpi slt, %jit3A, %sign3A_101 : i32
      %sign3A_103 = arith.extui %sign3A_102 : i1 to i32
      %sign3A_104 = arith.subi %sign3A_100, %sign3A_103 : i32
      %ne3A = arith.cmpi ne, %sign3A_97, %sign3A_104 : i32
      %rem3A = arith.remsi %scan3A_91, %jit3A : i32
      %ne3A_105 = arith.constant 0 : i32
      %ne3A_106 = arith.cmpi ne, %rem3A, %ne3A_105 : i32
      %and3A = arith.andi %ne3A, %ne3A_106 : i1
      %sub3A = arith.constant 1 : i32
      %sub3A_107 = arith.subi %div3A, %sub3A : i32
      %select_n3A = arith.select %and3A, %sub3A_107, %div3A : i32
      %mul3A_108 = arith.constant 10 : i32
      %mul3A_109 = arith.muli %select_n3A, %mul3A_108 : i32
      %sub3A_110 = arith.subi %scan3A_91, %mul3A_109 : i32
      %mul3A_111 = arith.constant 16 : i32
      %mul3A_112 = arith.muli %sub3A_110, %mul3A_111 : i32
      %swap3A = arith.index_cast %select_n3A : i32 to index
      %swap3A_113 = arith.index_cast %mul3A_112 : i32 to index
      %swap3A_114 = tpu.vector_load %arg8[%swap3A, %swap3A_113] {strides = array<i32>} : memref<64x160xf32, #tpu.memory_space<vmem>>, vector<1x16xf32>,
      %swap3A_115 = vector.shape_cast %swap3A_114 : vector<1x16xf32> to vector<16xf32>
      %swap3A_116 = vector.shape_cast %broadcast_in_dim3A_0 : vector<16xf32> to vector<1x16xf32>
      tpu.vector_store %arg8[%swap3A, %swap3A_113], %swap3A_116 {strides = array<i32>} : memref<64x160xf32, #tpu.memory_space<vmem>>, vector<1x16xf32>,
    }
    %scan3A_5 = arith.constant 640 : i32
    %mul3A = arith.constant 626 : i32
    %mul3A_6 = arith.muli %arg1, %mul3A : i32
    %add3A = arith.constant 0 : i32
    %add3A_7 = arith.addi %mul3A_6, %add3A : i32
    "tpu.region"() ({
      %run_scoped3A_91 = tpu.sem_alloc : memref<!tpu.dma_semaphore, #tpu.memory_space<semaphore_mem>>
      %dma_start3A_92 = arith.constant 0 : i32
      %dma_start3A_93 = tpu.memref_slice %arg10[%add3A_7, %dma_start3A_92] : memref<10016x160xf32, #tpu.memory_space<vmem_shared>> -> memref<64x160xf32, #tpu.memory_space<vmem_shared>>
      %dma_start3A_94 = arith.constant 0 : i32
      %dma_start3A_95 = tpu.memref_slice %arg10[%add3A_7, %dma_start3A_94] : memref<10016x160xf32, #tpu.memory_space<vmem_shared>> -> memref<64x160xf32, #tpu.memory_space<vmem_shared>>
      tpu.enqueue_dma source(%arg8 : memref<64x160xf32, #tpu.memory_space<vmem>>) target(%dma_start3A_95 : memref<64x160xf32, #tpu.memory_space<vmem_shared>>) target_semaphore(%run_scoped3A_91 : memref<!tpu.dma_semaphore, #tpu.memory_space<semaphore_mem>>)
      %dma_wait3A = arith.constant 0 : i32
      %dma_wait3A_96 = tpu.memref_slice %arg10[%add3A_7, %dma_wait3A] : memref<10016x160xf32, #tpu.memory_space<vmem_shared>> -> memref<64x160xf32, #tpu.memory_space<vmem_shared>>
      %dma_wait3A_97 = arith.constant 0 : i32
      %dma_wait3A_98 = tpu.memref_slice %arg10[%add3A_7, %dma_wait3A_97] : memref<10016x160xf32, #tpu.memory_space<vmem_shared>> -> memref<64x160xf32, #tpu.memory_space<vmem_shared>>
      tpu.wait_dma2 semaphore(%run_scoped3A_91 : memref<!tpu.dma_semaphore, #tpu.memory_space<semaphore_mem>>) src(%arg8 : memref<64x160xf32, #tpu.memory_space<vmem>>) dst(%dma_wait3A_98 : memref<64x160xf32, #tpu.memory_space<vmem_shared>>)
      tpu.yield
    }) : () -> ()
    %mul3A_8 = arith.constant 626 : i32
    %mul3A_9 = arith.muli %arg1, %mul3A_8 : i32
    %add3A_10 = arith.constant 64 : i32
    %add3A_11 = arith.addi %mul3A_9, %add3A_10 : i32
    "tpu.region"() ({
      %run_scoped3A_91 = tpu.sem_alloc : memref<!tpu.dma_semaphore, #tpu.memory_space<semaphore_mem>>
      %dma_start3A_92 = arith.constant 0 : i32
      %dma_start3A_93 = tpu.memref_slice %arg10[%add3A_11, %dma_start3A_92] : memref<10016x160xf32, #tpu.memory_space<vmem_shared>> -> memref<64x160xf32, #tpu.memory_space<vmem_shared>>
      %dma_start3A_94 = arith.constant 0 : i32
      %dma_start3A_95 = tpu.memref_slice %arg10[%add3A_11, %dma_start3A_94] : memref<10016x160xf32, #tpu.memory_space<vmem_shared>> -> memref<64x160xf32, #tpu.memory_space<vmem_shared>>
      tpu.enqueue_dma source(%arg8 : memref<64x160xf32, #tpu.memory_space<vmem>>) target(%dma_start3A_95 : memref<64x160xf32, #tpu.memory_space<vmem_shared>>) target_semaphore(%run_scoped3A_91 : memref<!tpu.dma_semaphore, #tpu.memory_space<semaphore_mem>>)
      %dma_wait3A = arith.constant 0 : i32
      %dma_wait3A_96 = tpu.memref_slice %arg10[%add3A_11, %dma_wait3A] : memref<10016x160xf32, #tpu.memory_space<vmem_shared>> -> memref<64x160xf32, #tpu.memory_space<vmem_shared>>
      %dma_wait3A_97 = arith.constant 0 : i32
      %dma_wait3A_98 = tpu.memref_slice %arg10[%add3A_11, %dma_wait3A_97] : memref<10016x160xf32, #tpu.memory_space<vmem_shared>> -> memref<64x160xf32, #tpu.memory_space<vmem_shared>>
      tpu.wait_dma2 semaphore(%run_scoped3A_91 : memref<!tpu.dma_semaphore, #tpu.memory_space<semaphore_mem>>) src(%arg8 : memref<64x160xf32, #tpu.memory_space<vmem>>) dst(%dma_wait3A_98 : memref<64x160xf32, #tpu.memory_space<vmem_shared>>)
      tpu.yield
    }) : () -> ()
    %mul3A_12 = arith.constant 626 : i32
    %mul3A_13 = arith.muli %arg1, %mul3A_12 : i32
    %add3A_14 = arith.constant 128 : i32
    %add3A_15 = arith.addi %mul3A_13, %add3A_14 : i32
    "tpu.region"() ({
      %run_scoped3A_91 = tpu.sem_alloc : memref<!tpu.dma_semaphore, #tpu.memory_space<semaphore_mem>>
      %dma_start3A_92 = arith.constant 0 : i32
      %dma_start3A_93 = tpu.memref_slice %arg10[%add3A_15, %dma_start3A_92] : memref<10016x160xf32, #tpu.memory_space<vmem_shared>> -> memref<64x160xf32, #tpu.memory_space<vmem_shared>>
      %dma_start3A_94 = arith.constant 0 : i32
      %dma_start3A_95 = tpu.memref_slice %arg10[%add3A_15, %dma_start3A_94] : memref<10016x160xf32, #tpu.memory_space<vmem_shared>> -> memref<64x160xf32, #tpu.memory_space<vmem_shared>>
      tpu.enqueue_dma source(%arg8 : memref<64x160xf32, #tpu.memory_space<vmem>>) target(%dma_start3A_95 : memref<64x160xf32, #tpu.memory_space<vmem_shared>>) target_semaphore(%run_scoped3A_91 : memref<!tpu.dma_semaphore, #tpu.memory_space<semaphore_mem>>)
      %dma_wait3A = arith.constant 0 : i32
      %dma_wait3A_96 = tpu.memref_slice %arg10[%add3A_15, %dma_wait3A] : memref<10016x160xf32, #tpu.memory_space<vmem_shared>> -> memref<64x160xf32, #tpu.memory_space<vmem_shared>>
      %dma_wait3A_97 = arith.constant 0 : i32
      %dma_wait3A_98 = tpu.memref_slice %arg10[%add3A_15, %dma_wait3A_97] : memref<10016x160xf32, #tpu.memory_space<vmem_shared>> -> memref<64x160xf32, #tpu.memory_space<vmem_shared>>
      tpu.wait_dma2 semaphore(%run_scoped3A_91 : memref<!tpu.dma_semaphore, #tpu.memory_space<semaphore_mem>>) src(%arg8 : memref<64x160xf32, #tpu.memory_space<vmem>>) dst(%dma_wait3A_98 : memref<64x160xf32, #tpu.memory_space<vmem_shared>>)
      tpu.yield
    }) : () -> ()
    %mul3A_16 = arith.constant 626 : i32
    %mul3A_17 = arith.muli %arg1, %mul3A_16 : i32
    %add3A_18 = arith.constant 192 : i32
    %add3A_19 = arith.addi %mul3A_17, %add3A_18 : i32
    "tpu.region"() ({
      %run_scoped3A_91 = tpu.sem_alloc : memref<!tpu.dma_semaphore, #tpu.memory_space<semaphore_mem>>
      %dma_start3A_92 = arith.constant 0 : i32
      %dma_start3A_93 = tpu.memref_slice %arg10[%add3A_19, %dma_start3A_92] : memref<10016x160xf32, #tpu.memory_space<vmem_shared>> -> memref<64x160xf32, #tpu.memory_space<vmem_shared>>
      %dma_start3A_94 = arith.constant 0 : i32
      %dma_start3A_95 = tpu.memref_slice %arg10[%add3A_19, %dma_start3A_94] : memref<10016x160xf32, #tpu.memory_space<vmem_shared>> -> memref<64x160xf32, #tpu.memory_space<vmem_shared>>
      tpu.enqueue_dma source(%arg8 : memref<64x160xf32, #tpu.memory_space<vmem>>) target(%dma_start3A_95 : memref<64x160xf32, #tpu.memory_space<vmem_shared>>) target_semaphore(%run_scoped3A_91 : memref<!tpu.dma_semaphore, #tpu.memory_space<semaphore_mem>>)
      %dma_wait3A = arith.constant 0 : i32
      %dma_wait3A_96 = tpu.memref_slice %arg10[%add3A_19, %dma_wait3A] : memref<10016x160xf32, #tpu.memory_space<vmem_shared>> -> memref<64x160xf32, #tpu.memory_space<vmem_shared>>
      %dma_wait3A_97 = arith.constant 0 : i32
      %dma_wait3A_98 = tpu.memref_slice %arg10[%add3A_19, %dma_wait3A_97] : memref<10016x160xf32, #tpu.memory_space<vmem_shared>> -> memref<64x160xf32, #tpu.memory_space<vmem_shared>>
      tpu.wait_dma2 semaphore(%run_scoped3A_91 : memref<!tpu.dma_semaphore, #tpu.memory_space<semaphore_mem>>) src(%arg8 : memref<64x160xf32, #tpu.memory_space<vmem>>) dst(%dma_wait3A_98 : memref<64x160xf32, #tpu.memory_space<vmem_shared>>)
      tpu.yield
    }) : () -> ()
    %mul3A_20 = arith.constant 626 : i32
    %mul3A_21 = arith.muli %arg1, %mul3A_20 : i32
    %add3A_22 = arith.constant 256 : i32
    %add3A_23 = arith.addi %mul3A_21, %add3A_22 : i32
    "tpu.region"() ({
      %run_scoped3A_91 = tpu.sem_alloc : memref<!tpu.dma_semaphore, #tpu.memory_space<semaphore_mem>>
      %dma_start3A_92 = arith.constant 0 : i32
      %dma_start3A_93 = tpu.memref_slice %arg10[%add3A_23, %dma_start3A_92] : memref<10016x160xf32, #tpu.memory_space<vmem_shared>> -> memref<64x160xf32, #tpu.memory_space<vmem_shared>>
      %dma_start3A_94 = arith.constant 0 : i32
      %dma_start3A_95 = tpu.memref_slice %arg10[%add3A_23, %dma_start3A_94] : memref<10016x160xf32, #tpu.memory_space<vmem_shared>> -> memref<64x160xf32, #tpu.memory_space<vmem_shared>>
      tpu.enqueue_dma source(%arg8 : memref<64x160xf32, #tpu.memory_space<vmem>>) target(%dma_start3A_95 : memref<64x160xf32, #tpu.memory_space<vmem_shared>>) target_semaphore(%run_scoped3A_91 : memref<!tpu.dma_semaphore, #tpu.memory_space<semaphore_mem>>)
      %dma_wait3A = arith.constant 0 : i32
      %dma_wait3A_96 = tpu.memref_slice %arg10[%add3A_23, %dma_wait3A] : memref<10016x160xf32, #tpu.memory_space<vmem_shared>> -> memref<64x160xf32, #tpu.memory_space<vmem_shared>>
      %dma_wait3A_97 = arith.constant 0 : i32
      %dma_wait3A_98 = tpu.memref_slice %arg10[%add3A_23, %dma_wait3A_97] : memref<10016x160xf32, #tpu.memory_space<vmem_shared>> -> memref<64x160xf32, #tpu.memory_space<vmem_shared>>
      tpu.wait_dma2 semaphore(%run_scoped3A_91 : memref<!tpu.dma_semaphore, #tpu.memory_space<semaphore_mem>>) src(%arg8 : memref<64x160xf32, #tpu.memory_space<vmem>>) dst(%dma_wait3A_98 : memref<64x160xf32, #tpu.memory_space<vmem_shared>>)
      tpu.yield
    }) : () -> ()
    %mul3A_24 = arith.constant 626 : i32
    %mul3A_25 = arith.muli %arg1, %mul3A_24 : i32
    %add3A_26 = arith.constant 320 : i32
    %add3A_27 = arith.addi %mul3A_25, %add3A_26 : i32
    "tpu.region"() ({
      %run_scoped3A_91 = tpu.sem_alloc : memref<!tpu.dma_semaphore, #tpu.memory_space<semaphore_mem>>
      %dma_start3A_92 = arith.constant 0 : i32
      %dma_start3A_93 = tpu.memref_slice %arg10[%add3A_27, %dma_start3A_92] : memref<10016x160xf32, #tpu.memory_space<vmem_shared>> -> memref<64x160xf32, #tpu.memory_space<vmem_shared>>
      %dma_start3A_94 = arith.constant 0 : i32
      %dma_start3A_95 = tpu.memref_slice %arg10[%add3A_27, %dma_start3A_94] : memref<10016x160xf32, #tpu.memory_space<vmem_shared>> -> memref<64x160xf32, #tpu.memory_space<vmem_shared>>
      tpu.enqueue_dma source(%arg8 : memref<64x160xf32, #tpu.memory_space<vmem>>) target(%dma_start3A_95 : memref<64x160xf32, #tpu.memory_space<vmem_shared>>) target_semaphore(%run_scoped3A_91 : memref<!tpu.dma_semaphore, #tpu.memory_space<semaphore_mem>>)
      %dma_wait3A = arith.constant 0 : i32
      %dma_wait3A_96 = tpu.memref_slice %arg10[%add3A_27, %dma_wait3A] : memref<10016x160xf32, #tpu.memory_space<vmem_shared>> -> memref<64x160xf32, #tpu.memory_space<vmem_shared>>
      %dma_wait3A_97 = arith.constant 0 : i32
      %dma_wait3A_98 = tpu.memref_slice %arg10[%add3A_27, %dma_wait3A_97] : memref<10016x160xf32, #tpu.memory_space<vmem_shared>> -> memref<64x160xf32, #tpu.memory_space<vmem_shared>>
      tpu.wait_dma2 semaphore(%run_scoped3A_91 : memref<!tpu.dma_semaphore, #tpu.memory_space<semaphore_mem>>) src(%arg8 : memref<64x160xf32, #tpu.memory_space<vmem>>) dst(%dma_wait3A_98 : memref<64x160xf32, #tpu.memory_space<vmem_shared>>)
      tpu.yield
    }) : () -> ()
    %mul3A_28 = arith.constant 626 : i32
    %mul3A_29 = arith.muli %arg1, %mul3A_28 : i32
    %add3A_30 = arith.constant 384 : i32
    %add3A_31 = arith.addi %mul3A_29, %add3A_30 : i32
    "tpu.region"() ({
      %run_scoped3A_91 = tpu.sem_alloc : memref<!tpu.dma_semaphore, #tpu.memory_space<semaphore_mem>>
      %dma_start3A_92 = arith.constant 0 : i32
      %dma_start3A_93 = tpu.memref_slice %arg10[%add3A_31, %dma_start3A_92] : memref<10016x160xf32, #tpu.memory_space<vmem_shared>> -> memref<64x160xf32, #tpu.memory_space<vmem_shared>>
      %dma_start3A_94 = arith.constant 0 : i32
      %dma_start3A_95 = tpu.memref_slice %arg10[%add3A_31, %dma_start3A_94] : memref<10016x160xf32, #tpu.memory_space<vmem_shared>> -> memref<64x160xf32, #tpu.memory_space<vmem_shared>>
      tpu.enqueue_dma source(%arg8 : memref<64x160xf32, #tpu.memory_space<vmem>>) target(%dma_start3A_95 : memref<64x160xf32, #tpu.memory_space<vmem_shared>>) target_semaphore(%run_scoped3A_91 : memref<!tpu.dma_semaphore, #tpu.memory_space<semaphore_mem>>)
      %dma_wait3A = arith.constant 0 : i32
      %dma_wait3A_96 = tpu.memref_slice %arg10[%add3A_31, %dma_wait3A] : memref<10016x160xf32, #tpu.memory_space<vmem_shared>> -> memref<64x160xf32, #tpu.memory_space<vmem_shared>>
      %dma_wait3A_97 = arith.constant 0 : i32
      %dma_wait3A_98 = tpu.memref_slice %arg10[%add3A_31, %dma_wait3A_97] : memref<10016x160xf32, #tpu.memory_space<vmem_shared>> -> memref<64x160xf32, #tpu.memory_space<vmem_shared>>
      tpu.wait_dma2 semaphore(%run_scoped3A_91 : memref<!tpu.dma_semaphore, #tpu.memory_space<semaphore_mem>>) src(%arg8 : memref<64x160xf32, #tpu.memory_space<vmem>>) dst(%dma_wait3A_98 : memref<64x160xf32, #tpu.memory_space<vmem_shared>>)
      tpu.yield
    }) : () -> ()
    %mul3A_32 = arith.constant 626 : i32
    %mul3A_33 = arith.muli %arg1, %mul3A_32 : i32
    %add3A_34 = arith.constant 448 : i32
    %add3A_35 = arith.addi %mul3A_33, %add3A_34 : i32
    "tpu.region"() ({
      %run_scoped3A_91 = tpu.sem_alloc : memref<!tpu.dma_semaphore, #tpu.memory_space<semaphore_mem>>
      %dma_start3A_92 = arith.constant 0 : i32
      %dma_start3A_93 = tpu.memref_slice %arg10[%add3A_35, %dma_start3A_92] : memref<10016x160xf32, #tpu.memory_space<vmem_shared>> -> memref<64x160xf32, #tpu.memory_space<vmem_shared>>
      %dma_start3A_94 = arith.constant 0 : i32
      %dma_start3A_95 = tpu.memref_slice %arg10[%add3A_35, %dma_start3A_94] : memref<10016x160xf32, #tpu.memory_space<vmem_shared>> -> memref<64x160xf32, #tpu.memory_space<vmem_shared>>
      tpu.enqueue_dma source(%arg8 : memref<64x160xf32, #tpu.memory_space<vmem>>) target(%dma_start3A_95 : memref<64x160xf32, #tpu.memory_space<vmem_shared>>) target_semaphore(%run_scoped3A_91 : memref<!tpu.dma_semaphore, #tpu.memory_space<semaphore_mem>>)
      %dma_wait3A = arith.constant 0 : i32
      %dma_wait3A_96 = tpu.memref_slice %arg10[%add3A_35, %dma_wait3A] : memref<10016x160xf32, #tpu.memory_space<vmem_shared>> -> memref<64x160xf32, #tpu.memory_space<vmem_shared>>
      %dma_wait3A_97 = arith.constant 0 : i32
      %dma_wait3A_98 = tpu.memref_slice %arg10[%add3A_35, %dma_wait3A_97] : memref<10016x160xf32, #tpu.memory_space<vmem_shared>> -> memref<64x160xf32, #tpu.memory_space<vmem_shared>>
      tpu.wait_dma2 semaphore(%run_scoped3A_91 : memref<!tpu.dma_semaphore, #tpu.memory_space<semaphore_mem>>) src(%arg8 : memref<64x160xf32, #tpu.memory_space<vmem>>) dst(%dma_wait3A_98 : memref<64x160xf32, #tpu.memory_space<vmem_shared>>)
      tpu.yield
    }) : () -> ()
    %mul3A_36 = arith.constant 626 : i32
    %mul3A_37 = arith.muli %arg1, %mul3A_36 : i32
    %add3A_38 = arith.constant 512 : i32
    %add3A_39 = arith.addi %mul3A_37, %add3A_38 : i32
    "tpu.region"() ({
      %run_scoped3A_91 = tpu.sem_alloc : memref<!tpu.dma_semaphore, #tpu.memory_space<semaphore_mem>>
      %dma_start3A_92 = arith.constant 0 : i32
      %dma_start3A_93 = tpu.memref_slice %arg10[%add3A_39, %dma_start3A_92] : memref<10016x160xf32, #tpu.memory_space<vmem_shared>> -> memref<64x160xf32, #tpu.memory_space<vmem_shared>>
      %dma_start3A_94 = arith.constant 0 : i32
      %dma_start3A_95 = tpu.memref_slice %arg10[%add3A_39, %dma_start3A_94] : memref<10016x160xf32, #tpu.memory_space<vmem_shared>> -> memref<64x160xf32, #tpu.memory_space<vmem_shared>>
      tpu.enqueue_dma source(%arg8 : memref<64x160xf32, #tpu.memory_space<vmem>>) target(%dma_start3A_95 : memref<64x160xf32, #tpu.memory_space<vmem_shared>>) target_semaphore(%run_scoped3A_91 : memref<!tpu.dma_semaphore, #tpu.memory_space<semaphore_mem>>)
      %dma_wait3A = arith.constant 0 : i32
      %dma_wait3A_96 = tpu.memref_slice %arg10[%add3A_39, %dma_wait3A] : memref<10016x160xf32, #tpu.memory_space<vmem_shared>> -> memref<64x160xf32, #tpu.memory_space<vmem_shared>>
      %dma_wait3A_97 = arith.constant 0 : i32
      %dma_wait3A_98 = tpu.memref_slice %arg10[%add3A_39, %dma_wait3A_97] : memref<10016x160xf32, #tpu.memory_space<vmem_shared>> -> memref<64x160xf32, #tpu.memory_space<vmem_shared>>
      tpu.wait_dma2 semaphore(%run_scoped3A_91 : memref<!tpu.dma_semaphore, #tpu.memory_space<semaphore_mem>>) src(%arg8 : memref<64x160xf32, #tpu.memory_space<vmem>>) dst(%dma_wait3A_98 : memref<64x160xf32, #tpu.memory_space<vmem_shared>>)
      tpu.yield
    }) : () -> ()
    %mul3A_40 = arith.constant 626 : i32
    %mul3A_41 = arith.muli %arg1, %mul3A_40 : i32
    %add3A_42 = arith.constant 576 : i32
    %add3A_43 = arith.addi %mul3A_41, %add3A_42 : i32
    "tpu.region"() ({
      %run_scoped3A_91 = tpu.sem_alloc : memref<!tpu.dma_semaphore, #tpu.memory_space<semaphore_mem>>
      %dma_start3A_92 = arith.constant 0 : i32
      %dma_start3A_93 = arith.constant 0 : i32
      %dma_start3A_94 = tpu.memref_slice %arg8[%dma_start3A_92, %dma_start3A_93] : memref<64x160xf32, #tpu.memory_space<vmem>> -> memref<50x160xf32, #tpu.memory_space<vmem>>
      %dma_start3A_95 = arith.constant 0 : i32
      %dma_start3A_96 = tpu.memref_slice %arg10[%add3A_43, %dma_start3A_95] : memref<10016x160xf32, #tpu.memory_space<vmem_shared>> -> memref<50x160xf32, #tpu.memory_space<vmem_shared>>
      %dma_start3A_97 = arith.constant 0 : i32
      %dma_start3A_98 = tpu.memref_slice %arg10[%add3A_43, %dma_start3A_97] : memref<10016x160xf32, #tpu.memory_space<vmem_shared>> -> memref<50x160xf32, #tpu.memory_space<vmem_shared>>
      %dma_start3A_99 = arith.constant 0 : i32
      %dma_start3A_100 = arith.constant 0 : i32
      %dma_start3A_101 = tpu.memref_slice %arg8[%dma_start3A_99, %dma_start3A_100] : memref<64x160xf32, #tpu.memory_space<vmem>> -> memref<50x160xf32, #tpu.memory_space<vmem>>
      tpu.enqueue_dma source(%dma_start3A_101 : memref<50x160xf32, #tpu.memory_space<vmem>>) target(%dma_start3A_98 : memref<50x160xf32, #tpu.memory_space<vmem_shared>>) target_semaphore(%run_scoped3A_91 : memref<!tpu.dma_semaphore, #tpu.memory_space<semaphore_mem>>)
      %dma_wait3A = arith.constant 0 : i32
      %dma_wait3A_102 = arith.constant 0 : i32
      %dma_wait3A_103 = tpu.memref_slice %arg8[%dma_wait3A, %dma_wait3A_102] : memref<64x160xf32, #tpu.memory_space<vmem>> -> memref<50x160xf32, #tpu.memory_space<vmem>>
      %dma_wait3A_104 = arith.constant 0 : i32
      %dma_wait3A_105 = tpu.memref_slice %arg10[%add3A_43, %dma_wait3A_104] : memref<10016x160xf32, #tpu.memory_space<vmem_shared>> -> memref<50x160xf32, #tpu.memory_space<vmem_shared>>
      %dma_wait3A_106 = arith.constant 0 : i32
      %dma_wait3A_107 = tpu.memref_slice %arg10[%add3A_43, %dma_wait3A_106] : memref<10016x160xf32, #tpu.memory_space<vmem_shared>> -> memref<50x160xf32, #tpu.memory_space<vmem_shared>>
      %dma_wait3A_108 = arith.constant 0 : i32
      %dma_wait3A_109 = arith.constant 0 : i32
      %dma_wait3A_110 = tpu.memref_slice %arg8[%dma_wait3A_108, %dma_wait3A_109] : memref<64x160xf32, #tpu.memory_space<vmem>> -> memref<50x160xf32, #tpu.memory_space<vmem>>
      tpu.wait_dma2 semaphore(%run_scoped3A_91 : memref<!tpu.dma_semaphore, #tpu.memory_space<semaphore_mem>>) src(%dma_wait3A_110 : memref<50x160xf32, #tpu.memory_space<vmem>>) dst(%dma_wait3A_107 : memref<50x160xf32, #tpu.memory_space<vmem_shared>>)
      tpu.yield
    }) : () -> ()
    %barrier3A = arith.constant 0 : index
    tpu.barrier barrier_id(%barrier3A)
    %run_scoped3A = arith.constant 0 : i32
    "tpu.region"() ({
      %run_scoped3A_91 = tpu.sem_alloc : memref<!tpu.dma_semaphore, #tpu.memory_space<semaphore_mem>>
      %dma_start3A_92 = arith.constant 0 : i32
      %dma_start3A_93 = arith.constant 0 : i32
      %dma_start3A_94 = tpu.memref_slice %arg3[%arg0, %arg1, %run_scoped3A, %dma_start3A_92, %dma_start3A_93] : memref<2x16x2x80x64xi32, #tpu.memory_space<hbm>> -> memref<1x1x1x80x64xi32, #tpu.memory_space<hbm>>
      %dma_start3A_95 = tpu.memref_squeeze %dma_start3A_94 : memref<1x1x1x80x64xi32, #tpu.memory_space<hbm>> -> memref<80x64xi32, #tpu.memory_space<hbm>>
      %dma_start3A_96 = arith.constant 0 : i32
      %dma_start3A_97 = arith.constant 0 : i32
      %dma_start3A_98 = tpu.memref_slice %arg3[%arg0, %arg1, %run_scoped3A, %dma_start3A_96, %dma_start3A_97] : memref<2x16x2x80x64xi32, #tpu.memory_space<hbm>> -> memref<1x1x1x80x64xi32, #tpu.memory_space<hbm>>
      %dma_start3A_99 = tpu.memref_squeeze %dma_start3A_98 : memref<1x1x1x80x64xi32, #tpu.memory_space<hbm>> -> memref<80x64xi32, #tpu.memory_space<hbm>>
      tpu.enqueue_dma source(%dma_start3A_99 : memref<80x64xi32, #tpu.memory_space<hbm>>) target(%arg6 : memref<80x64xi32, #tpu.memory_space<vmem>>) target_semaphore(%run_scoped3A_91 : memref<!tpu.dma_semaphore, #tpu.memory_space<semaphore_mem>>)
      %dma_wait3A = arith.constant 0 : i32
      %dma_wait3A_100 = arith.constant 0 : i32
      %dma_wait3A_101 = tpu.memref_slice %arg3[%arg0, %arg1, %run_scoped3A, %dma_wait3A, %dma_wait3A_100] : memref<2x16x2x80x64xi32, #tpu.memory_space<hbm>> -> memref<1x1x1x80x64xi32, #tpu.memory_space<hbm>>
      %dma_wait3A_102 = tpu.memref_squeeze %dma_wait3A_101 : memref<1x1x1x80x64xi32, #tpu.memory_space<hbm>> -> memref<80x64xi32, #tpu.memory_space<hbm>>
      %dma_wait3A_103 = arith.constant 0 : i32
      %dma_wait3A_104 = arith.constant 0 : i32
      %dma_wait3A_105 = tpu.memref_slice %arg3[%arg0, %arg1, %run_scoped3A, %dma_wait3A_103, %dma_wait3A_104] : memref<2x16x2x80x64xi32, #tpu.memory_space<hbm>> -> memref<1x1x1x80x64xi32, #tpu.memory_space<hbm>>
      %dma_wait3A_106 = tpu.memref_squeeze %dma_wait3A_105 : memref<1x1x1x80x64xi32, #tpu.memory_space<hbm>> -> memref<80x64xi32, #tpu.memory_space<hbm>>
      tpu.wait_dma2 semaphore(%run_scoped3A_91 : memref<!tpu.dma_semaphore, #tpu.memory_space<semaphore_mem>>) src(%dma_wait3A_106 : memref<80x64xi32, #tpu.memory_space<hbm>>) dst(%arg6 : memref<80x64xi32, #tpu.memory_space<vmem>>)
      tpu.yield
    }) : () -> ()
    %run_scoped3A_44 = arith.constant 0 : i32
    "tpu.region"() ({
      %run_scoped3A_91 = tpu.sem_alloc : memref<!tpu.dma_semaphore, #tpu.memory_space<semaphore_mem>>
      %dma_start3A_92 = arith.constant 0 : i32
      %dma_start3A_93 = arith.constant 0 : i32
      %dma_start3A_94 = tpu.memref_slice %arg4[%arg1, %run_scoped3A_44, %dma_start3A_92, %dma_start3A_93] : memref<16x2x80x64xi32, #tpu.memory_space<hbm>> -> memref<1x1x80x64xi32, #tpu.memory_space<hbm>>
      %dma_start3A_95 = tpu.memref_squeeze %dma_start3A_94 : memref<1x1x80x64xi32, #tpu.memory_space<hbm>> -> memref<80x64xi32, #tpu.memory_space<hbm>>
      %dma_start3A_96 = arith.constant 0 : i32
      %dma_start3A_97 = arith.constant 0 : i32
      %dma_start3A_98 = tpu.memref_slice %arg4[%arg1, %run_scoped3A_44, %dma_start3A_96, %dma_start3A_97] : memref<16x2x80x64xi32, #tpu.memory_space<hbm>> -> memref<1x1x80x64xi32, #tpu.memory_space<hbm>>
      %dma_start3A_99 = tpu.memref_squeeze %dma_start3A_98 : memref<1x1x80x64xi32, #tpu.memory_space<hbm>> -> memref<80x64xi32, #tpu.memory_space<hbm>>
      tpu.enqueue_dma source(%dma_start3A_99 : memref<80x64xi32, #tpu.memory_space<hbm>>) target(%arg7 : memref<80x64xi32, #tpu.memory_space<vmem>>) target_semaphore(%run_scoped3A_91 : memref<!tpu.dma_semaphore, #tpu.memory_space<semaphore_mem>>)
      %dma_wait3A = arith.constant 0 : i32
      %dma_wait3A_100 = arith.constant 0 : i32
      %dma_wait3A_101 = tpu.memref_slice %arg4[%arg1, %run_scoped3A_44, %dma_wait3A, %dma_wait3A_100] : memref<16x2x80x64xi32, #tpu.memory_space<hbm>> -> memref<1x1x80x64xi32, #tpu.memory_space<hbm>>
      %dma_wait3A_102 = tpu.memref_squeeze %dma_wait3A_101 : memref<1x1x80x64xi32, #tpu.memory_space<hbm>> -> memref<80x64xi32, #tpu.memory_space<hbm>>
      %dma_wait3A_103 = arith.constant 0 : i32
      %dma_wait3A_104 = arith.constant 0 : i32
      %dma_wait3A_105 = tpu.memref_slice %arg4[%arg1, %run_scoped3A_44, %dma_wait3A_103, %dma_wait3A_104] : memref<16x2x80x64xi32, #tpu.memory_space<hbm>> -> memref<1x1x80x64xi32, #tpu.memory_space<hbm>>
      %dma_wait3A_106 = tpu.memref_squeeze %dma_wait3A_105 : memref<1x1x80x64xi32, #tpu.memory_space<hbm>> -> memref<80x64xi32, #tpu.memory_space<hbm>>
      tpu.wait_dma2 semaphore(%run_scoped3A_91 : memref<!tpu.dma_semaphore, #tpu.memory_space<semaphore_mem>>) src(%dma_wait3A_106 : memref<80x64xi32, #tpu.memory_space<hbm>>) dst(%arg7 : memref<80x64xi32, #tpu.memory_space<vmem>>)
      tpu.yield
    }) : () -> ()
    %dma_start3A = arith.constant 0 : i32
    %dma_start3A_45 = arith.constant 0 : i32
    %dma_start3A_46 = tpu.memref_slice %arg6[%dma_start3A, %dma_start3A_45] : memref<80x64xi32, #tpu.memory_space<vmem>> -> memref<1x64xi32, #tpu.memory_space<vmem>>
    %dma_start3A_47 = tpu.memref_squeeze %dma_start3A_46 : memref<1x64xi32, #tpu.memory_space<vmem>> -> memref<64xi32, #tpu.memory_space<vmem>>
    %dma_start3A_48 = arith.constant 0 : i32
    %dma_start3A_49 = arith.constant 0 : i32
    %dma_start3A_50 = tpu.memref_slice %arg2[%dma_start3A_48, %dma_start3A_49] : memref<20000x160xf32, #tpu.memory_space<hbm>> -> memref<20000x160xf32, #tpu.memory_space<hbm>>
    tpu.enqueue_indirect_dma source(%dma_start3A_50 : memref<20000x160xf32, #tpu.memory_space<hbm>>) target(%arg8 : memref<64x160xf32, #tpu.memory_space<vmem>>) offsets(%dma_start3A_47 : memref<64xi32, #tpu.memory_space<vmem>>) semaphore(%arg11 : memref<!tpu.dma_semaphore, #tpu.memory_space<semaphore_mem>>)
    %dma_start3A_51 = arith.constant 1 : i32
    %dma_start3A_52 = arith.constant 0 : i32
    %dma_start3A_53 = tpu.memref_slice %arg6[%dma_start3A_51, %dma_start3A_52] : memref<80x64xi32, #tpu.memory_space<vmem>> -> memref<1x64xi32, #tpu.memory_space<vmem>>
    %dma_start3A_54 = tpu.memref_squeeze %dma_start3A_53 : memref<1x64xi32, #tpu.memory_space<vmem>> -> memref<64xi32, #tpu.memory_space<vmem>>
    %dma_start3A_55 = arith.constant 0 : i32
    %dma_start3A_56 = arith.constant 0 : i32
    %dma_start3A_57 = tpu.memref_slice %arg2[%dma_start3A_55, %dma_start3A_56] : memref<20000x160xf32, #tpu.memory_space<hbm>> -> memref<20000x160xf32, #tpu.memory_space<hbm>>
    tpu.enqueue_indirect_dma source(%dma_start3A_57 : memref<20000x160xf32, #tpu.memory_space<hbm>>) target(%arg9 : memref<64x160xf32, #tpu.memory_space<vmem>>) offsets(%dma_start3A_54 : memref<64xi32, #tpu.memory_space<vmem>>) semaphore(%arg12 : memref<!tpu.dma_semaphore, #tpu.memory_space<semaphore_mem>>)
    %scan3A_58 = arith.constant 0 : i32
    %scan3A_59 = arith.constant 0 : i32
    %scan3A_60 = arith.constant 40 : i32
    %scan3A_61 = arith.addi %scan3A_59, %scan3A_60 : i32
    %scan3A_62 = arith.constant 1 : i32
    scf.for %scan3A_91 = %scan3A_59 to %scan3A_61 step %scan3A_62  : i32 {
      %mul3A_92 = arith.constant 2 : i32
      %mul3A_93 = arith.muli %scan3A_91, %mul3A_92 : i32
      %add3A_94 = arith.constant 0 : i32
      %add3A_95 = arith.addi %mul3A_93, %add3A_94 : i32
      %dma_wait3A = arith.constant 0 : i32
      %dma_wait3A_96 = tpu.memref_slice %arg6[%add3A_95, %dma_wait3A] : memref<80x64xi32, #tpu.memory_space<vmem>> -> memref<1x64xi32, #tpu.memory_space<vmem>>
      %dma_wait3A_97 = tpu.memref_squeeze %dma_wait3A_96 : memref<1x64xi32, #tpu.memory_space<vmem>> -> memref<64xi32, #tpu.memory_space<vmem>>
      %dma_wait3A_98 = arith.constant 0 : i32
      %dma_wait3A_99 = arith.constant 0 : i32
      %dma_wait3A_100 = tpu.memref_slice %arg2[%dma_wait3A_98, %dma_wait3A_99] : memref<20000x160xf32, #tpu.memory_space<hbm>> -> memref<20000x160xf32, #tpu.memory_space<hbm>>
      tpu.wait_indirect_dma semaphore(%arg11 : memref<!tpu.dma_semaphore, #tpu.memory_space<semaphore_mem>>) src(%dma_wait3A_100 : memref<20000x160xf32, #tpu.memory_space<hbm>>) dst(%arg8 : memref<64x160xf32, #tpu.memory_space<vmem>>)
      %ge3A = arith.constant 1 : i32
      %ge3A_101 = arith.cmpi sge, %add3A_95, %ge3A : i32
      %add3A_102 = arith.constant 1 : i32
      %add3A_103 = arith.addi %add3A_95, %add3A_102 : i32
      %lt3A = arith.constant 80 : i32
      %lt3A_104 = arith.cmpi slt, %add3A_103, %lt3A : i32
      %and3A = arith.andi %ge3A_101, %lt3A_104 : i1
      %convert_element_type3A = arith.extui %and3A : i1 to i32
      %cond3A = arith.constant 0 : i32
      %cond3A_105 = arith.cmpi ne, %convert_element_type3A, %cond3A : i32
      scf.if %cond3A_105 {
        %add3A_126 = arith.constant 1 : i32
        %add3A_127 = arith.addi %add3A_95, %add3A_126 : i32
        %dma_start3A_128 = arith.constant 0 : i32
        %dma_start3A_129 = tpu.memref_slice %arg6[%add3A_127, %dma_start3A_128] : memref<80x64xi32, #tpu.memory_space<vmem>> -> memref<1x64xi32, #tpu.memory_space<vmem>>
        %dma_start3A_130 = tpu.memref_squeeze %dma_start3A_129 : memref<1x64xi32, #tpu.memory_space<vmem>> -> memref<64xi32, #tpu.memory_space<vmem>>
        %dma_start3A_131 = arith.constant 0 : i32
        %dma_start3A_132 = arith.constant 0 : i32
        %dma_start3A_133 = tpu.memref_slice %arg2[%dma_start3A_131, %dma_start3A_132] : memref<20000x160xf32, #tpu.memory_space<hbm>> -> memref<20000x160xf32, #tpu.memory_space<hbm>>
        tpu.enqueue_indirect_dma source(%dma_start3A_133 : memref<20000x160xf32, #tpu.memory_space<hbm>>) target(%arg9 : memref<64x160xf32, #tpu.memory_space<vmem>>) offsets(%dma_start3A_130 : memref<64xi32, #tpu.memory_space<vmem>>) semaphore(%arg12 : memref<!tpu.dma_semaphore, #tpu.memory_space<semaphore_mem>>)
      } else {
      }
      %mul3A_106 = arith.constant 2 : i32
      %mul3A_107 = arith.muli %scan3A_91, %mul3A_106 : i32
      %add3A_108 = arith.constant 1 : i32
      %add3A_109 = arith.addi %mul3A_107, %add3A_108 : i32
      %dma_wait3A_110 = arith.constant 0 : i32
      %dma_wait3A_111 = tpu.memref_slice %arg6[%add3A_109, %dma_wait3A_110] : memref<80x64xi32, #tpu.memory_space<vmem>> -> memref<1x64xi32, #tpu.memory_space<vmem>>
      %dma_wait3A_112 = tpu.memref_squeeze %dma_wait3A_111 : memref<1x64xi32, #tpu.memory_space<vmem>> -> memref<64xi32, #tpu.memory_space<vmem>>
      %dma_wait3A_113 = arith.constant 0 : i32
      %dma_wait3A_114 = arith.constant 0 : i32
      %dma_wait3A_115 = tpu.memref_slice %arg2[%dma_wait3A_113, %dma_wait3A_114] : memref<20000x160xf32, #tpu.memory_space<hbm>> -> memref<20000x160xf32, #tpu.memory_space<hbm>>
      tpu.wait_indirect_dma semaphore(%arg12 : memref<!tpu.dma_semaphore, #tpu.memory_space<semaphore_mem>>) src(%dma_wait3A_115 : memref<20000x160xf32, #tpu.memory_space<hbm>>) dst(%arg9 : memref<64x160xf32, #tpu.memory_space<vmem>>)
      %ge3A_116 = arith.constant 1 : i32
      %ge3A_117 = arith.cmpi sge, %add3A_109, %ge3A_116 : i32
      %add3A_118 = arith.constant 1 : i32
      %add3A_119 = arith.addi %add3A_109, %add3A_118 : i32
      %lt3A_120 = arith.constant 80 : i32
      %lt3A_121 = arith.cmpi slt, %add3A_119, %lt3A_120 : i32
      %and3A_122 = arith.andi %ge3A_117, %lt3A_121 : i1
      %convert_element_type3A_123 = arith.extui %and3A_122 : i1 to i32
      %cond3A_124 = arith.constant 0 : i32
      %cond3A_125 = arith.cmpi ne, %convert_element_type3A_123, %cond3A_124 : i32
      scf.if %cond3A_125 {
        %add3A_126 = arith.constant 1 : i32
        %add3A_127 = arith.addi %add3A_109, %add3A_126 : i32
        %dma_start3A_128 = arith.constant 0 : i32
        %dma_start3A_129 = tpu.memref_slice %arg6[%add3A_127, %dma_start3A_128] : memref<80x64xi32, #tpu.memory_space<vmem>> -> memref<1x64xi32, #tpu.memory_space<vmem>>
        %dma_start3A_130 = tpu.memref_squeeze %dma_start3A_129 : memref<1x64xi32, #tpu.memory_space<vmem>> -> memref<64xi32, #tpu.memory_space<vmem>>
        %dma_start3A_131 = arith.constant 0 : i32
        %dma_start3A_132 = arith.constant 0 : i32
        %dma_start3A_133 = tpu.memref_slice %arg2[%dma_start3A_131, %dma_start3A_132] : memref<20000x160xf32, #tpu.memory_space<hbm>> -> memref<20000x160xf32, #tpu.memory_space<hbm>>
        tpu.enqueue_indirect_dma source(%dma_start3A_133 : memref<20000x160xf32, #tpu.memory_space<hbm>>) target(%arg8 : memref<64x160xf32, #tpu.memory_space<vmem>>) offsets(%dma_start3A_130 : memref<64xi32, #tpu.memory_space<vmem>>) semaphore(%arg11 : memref<!tpu.dma_semaphore, #tpu.memory_space<semaphore_mem>>)
      } else {
      }
    }
    %scan3A_63 = arith.constant 40 : i32
    %run_scoped3A_64 = arith.constant 1 : i32
    "tpu.region"() ({
      %run_scoped3A_91 = tpu.sem_alloc : memref<!tpu.dma_semaphore, #tpu.memory_space<semaphore_mem>>
      %dma_start3A_92 = arith.constant 0 : i32
      %dma_start3A_93 = arith.constant 0 : i32
      %dma_start3A_94 = tpu.memref_slice %arg3[%arg0, %arg1, %run_scoped3A_64, %dma_start3A_92, %dma_start3A_93] : memref<2x16x2x80x64xi32, #tpu.memory_space<hbm>> -> memref<1x1x1x80x64xi32, #tpu.memory_space<hbm>>
      %dma_start3A_95 = tpu.memref_squeeze %dma_start3A_94 : memref<1x1x1x80x64xi32, #tpu.memory_space<hbm>> -> memref<80x64xi32, #tpu.memory_space<hbm>>
      %dma_start3A_96 = arith.constant 0 : i32
      %dma_start3A_97 = arith.constant 0 : i32
      %dma_start3A_98 = tpu.memref_slice %arg3[%arg0, %arg1, %run_scoped3A_64, %dma_start3A_96, %dma_start3A_97] : memref<2x16x2x80x64xi32, #tpu.memory_space<hbm>> -> memref<1x1x1x80x64xi32, #tpu.memory_space<hbm>>
      %dma_start3A_99 = tpu.memref_squeeze %dma_start3A_98 : memref<1x1x1x80x64xi32, #tpu.memory_space<hbm>> -> memref<80x64xi32, #tpu.memory_space<hbm>>
      tpu.enqueue_dma source(%dma_start3A_99 : memref<80x64xi32, #tpu.memory_space<hbm>>) target(%arg6 : memref<80x64xi32, #tpu.memory_space<vmem>>) target_semaphore(%run_scoped3A_91 : memref<!tpu.dma_semaphore, #tpu.memory_space<semaphore_mem>>)
      %dma_wait3A = arith.constant 0 : i32
      %dma_wait3A_100 = arith.constant 0 : i32
      %dma_wait3A_101 = tpu.memref_slice %arg3[%arg0, %arg1, %run_scoped3A_64, %dma_wait3A, %dma_wait3A_100] : memref<2x16x2x80x64xi32, #tpu.memory_space<hbm>> -> memref<1x1x1x80x64xi32, #tpu.memory_space<hbm>>
      %dma_wait3A_102 = tpu.memref_squeeze %dma_wait3A_101 : memref<1x1x1x80x64xi32, #tpu.memory_space<hbm>> -> memref<80x64xi32, #tpu.memory_space<hbm>>
      %dma_wait3A_103 = arith.constant 0 : i32
      %dma_wait3A_104 = arith.constant 0 : i32
      %dma_wait3A_105 = tpu.memref_slice %arg3[%arg0, %arg1, %run_scoped3A_64, %dma_wait3A_103, %dma_wait3A_104] : memref<2x16x2x80x64xi32, #tpu.memory_space<hbm>> -> memref<1x1x1x80x64xi32, #tpu.memory_space<hbm>>
      %dma_wait3A_106 = tpu.memref_squeeze %dma_wait3A_105 : memref<1x1x1x80x64xi32, #tpu.memory_space<hbm>> -> memref<80x64xi32, #tpu.memory_space<hbm>>
      tpu.wait_dma2 semaphore(%run_scoped3A_91 : memref<!tpu.dma_semaphore, #tpu.memory_space<semaphore_mem>>) src(%dma_wait3A_106 : memref<80x64xi32, #tpu.memory_space<hbm>>) dst(%arg6 : memref<80x64xi32, #tpu.memory_space<vmem>>)
      tpu.yield
    }) : () -> ()
    %run_scoped3A_65 = arith.constant 1 : i32
    "tpu.region"() ({
      %run_scoped3A_91 = tpu.sem_alloc : memref<!tpu.dma_semaphore, #tpu.memory_space<semaphore_mem>>
      %dma_start3A_92 = arith.constant 0 : i32
      %dma_start3A_93 = arith.constant 0 : i32
      %dma_start3A_94 = tpu.memref_slice %arg4[%arg1, %run_scoped3A_65, %dma_start3A_92, %dma_start3A_93] : memref<16x2x80x64xi32, #tpu.memory_space<hbm>> -> memref<1x1x80x64xi32, #tpu.memory_space<hbm>>
      %dma_start3A_95 = tpu.memref_squeeze %dma_start3A_94 : memref<1x1x80x64xi32, #tpu.memory_space<hbm>> -> memref<80x64xi32, #tpu.memory_space<hbm>>
      %dma_start3A_96 = arith.constant 0 : i32
      %dma_start3A_97 = arith.constant 0 : i32
      %dma_start3A_98 = tpu.memref_slice %arg4[%arg1, %run_scoped3A_65, %dma_start3A_96, %dma_start3A_97] : memref<16x2x80x64xi32, #tpu.memory_space<hbm>> -> memref<1x1x80x64xi32, #tpu.memory_space<hbm>>
      %dma_start3A_99 = tpu.memref_squeeze %dma_start3A_98 : memref<1x1x80x64xi32, #tpu.memory_space<hbm>> -> memref<80x64xi32, #tpu.memory_space<hbm>>
      tpu.enqueue_dma source(%dma_start3A_99 : memref<80x64xi32, #tpu.memory_space<hbm>>) target(%arg7 : memref<80x64xi32, #tpu.memory_space<vmem>>) target_semaphore(%run_scoped3A_91 : memref<!tpu.dma_semaphore, #tpu.memory_space<semaphore_mem>>)
      %dma_wait3A = arith.constant 0 : i32
      %dma_wait3A_100 = arith.constant 0 : i32
      %dma_wait3A_101 = tpu.memref_slice %arg4[%arg1, %run_scoped3A_65, %dma_wait3A, %dma_wait3A_100] : memref<16x2x80x64xi32, #tpu.memory_space<hbm>> -> memref<1x1x80x64xi32, #tpu.memory_space<hbm>>
      %dma_wait3A_102 = tpu.memref_squeeze %dma_wait3A_101 : memref<1x1x80x64xi32, #tpu.memory_space<hbm>> -> memref<80x64xi32, #tpu.memory_space<hbm>>
      %dma_wait3A_103 = arith.constant 0 : i32
      %dma_wait3A_104 = arith.constant 0 : i32
      %dma_wait3A_105 = tpu.memref_slice %arg4[%arg1, %run_scoped3A_65, %dma_wait3A_103, %dma_wait3A_104] : memref<16x2x80x64xi32, #tpu.memory_space<hbm>> -> memref<1x1x80x64xi32, #tpu.memory_space<hbm>>
      %dma_wait3A_106 = tpu.memref_squeeze %dma_wait3A_105 : memref<1x1x80x64xi32, #tpu.memory_space<hbm>> -> memref<80x64xi32, #tpu.memory_space<hbm>>
      tpu.wait_dma2 semaphore(%run_scoped3A_91 : memref<!tpu.dma_semaphore, #tpu.memory_space<semaphore_mem>>) src(%dma_wait3A_106 : memref<80x64xi32, #tpu.memory_space<hbm>>) dst(%arg7 : memref<80x64xi32, #tpu.memory_space<vmem>>)
      tpu.yield
    }) : () -> ()
    %dma_start3A_66 = arith.constant 0 : i32
    %dma_start3A_67 = arith.constant 0 : i32
    %dma_start3A_68 = tpu.memref_slice %arg6[%dma_start3A_66, %dma_start3A_67] : memref<80x64xi32, #tpu.memory_space<vmem>> -> memref<1x64xi32, #tpu.memory_space<vmem>>
    %dma_start3A_69 = tpu.memref_squeeze %dma_start3A_68 : memref<1x64xi32, #tpu.memory_space<vmem>> -> memref<64xi32, #tpu.memory_space<vmem>>
    %dma_start3A_70 = arith.constant 0 : i32
    %dma_start3A_71 = arith.constant 0 : i32
    %dma_start3A_72 = tpu.memref_slice %arg2[%dma_start3A_70, %dma_start3A_71] : memref<20000x160xf32, #tpu.memory_space<hbm>> -> memref<20000x160xf32, #tpu.memory_space<hbm>>
    tpu.enqueue_indirect_dma source(%dma_start3A_72 : memref<20000x160xf32, #tpu.memory_space<hbm>>) target(%arg8 : memref<64x160xf32, #tpu.memory_space<vmem>>) offsets(%dma_start3A_69 : memref<64xi32, #tpu.memory_space<vmem>>) semaphore(%arg11 : memref<!tpu.dma_semaphore, #tpu.memory_space<semaphore_mem>>)
    %dma_start3A_73 = arith.constant 1 : i32
    %dma_start3A_74 = arith.constant 0 : i32
    %dma_start3A_75 = tpu.memref_slice %arg6[%dma_start3A_73, %dma_start3A_74] : memref<80x64xi32, #tpu.memory_space<vmem>> -> memref<1x64xi32, #tpu.memory_space<vmem>>
    %dma_start3A_76 = tpu.memref_squeeze %dma_start3A_75 : memref<1x64xi32, #tpu.memory_space<vmem>> -> memref<64xi32, #tpu.memory_space<vmem>>
    %dma_start3A_77 = arith.constant 0 : i32
    %dma_start3A_78 = arith.constant 0 : i32
    %dma_start3A_79 = tpu.memref_slice %arg2[%dma_start3A_77, %dma_start3A_78] : memref<20000x160xf32, #tpu.memory_space<hbm>> -> memref<20000x160xf32, #tpu.memory_space<hbm>>
    tpu.enqueue_indirect_dma source(%dma_start3A_79 : memref<20000x160xf32, #tpu.memory_space<hbm>>) target(%arg9 : memref<64x160xf32, #tpu.memory_space<vmem>>) offsets(%dma_start3A_76 : memref<64xi32, #tpu.memory_space<vmem>>) semaphore(%arg12 : memref<!tpu.dma_semaphore, #tpu.memory_space<semaphore_mem>>)
    %scan3A_80 = arith.constant 0 : i32
    %scan3A_81 = arith.constant 0 : i32
    %scan3A_82 = arith.constant 40 : i32
    %scan3A_83 = arith.addi %scan3A_81, %scan3A_82 : i32
    %scan3A_84 = arith.constant 1 : i32
    scf.for %scan3A_91 = %scan3A_81 to %scan3A_83 step %scan3A_84  : i32 {
      %mul3A_92 = arith.constant 2 : i32
      %mul3A_93 = arith.muli %scan3A_91, %mul3A_92 : i32
      %add3A_94 = arith.constant 0 : i32
      %add3A_95 = arith.addi %mul3A_93, %add3A_94 : i32
      %dma_wait3A = arith.constant 0 : i32
      %dma_wait3A_96 = tpu.memref_slice %arg6[%add3A_95, %dma_wait3A] : memref<80x64xi32, #tpu.memory_space<vmem>> -> memref<1x64xi32, #tpu.memory_space<vmem>>
      %dma_wait3A_97 = tpu.memref_squeeze %dma_wait3A_96 : memref<1x64xi32, #tpu.memory_space<vmem>> -> memref<64xi32, #tpu.memory_space<vmem>>
      %dma_wait3A_98 = arith.constant 0 : i32
      %dma_wait3A_99 = arith.constant 0 : i32
      %dma_wait3A_100 = tpu.memref_slice %arg2[%dma_wait3A_98, %dma_wait3A_99] : memref<20000x160xf32, #tpu.memory_space<hbm>> -> memref<20000x160xf32, #tpu.memory_space<hbm>>
      tpu.wait_indirect_dma semaphore(%arg11 : memref<!tpu.dma_semaphore, #tpu.memory_space<semaphore_mem>>) src(%dma_wait3A_100 : memref<20000x160xf32, #tpu.memory_space<hbm>>) dst(%arg8 : memref<64x160xf32, #tpu.memory_space<vmem>>)
      %ge3A = arith.constant 1 : i32
      %ge3A_101 = arith.cmpi sge, %add3A_95, %ge3A : i32
      %add3A_102 = arith.constant 1 : i32
      %add3A_103 = arith.addi %add3A_95, %add3A_102 : i32
      %lt3A = arith.constant 80 : i32
      %lt3A_104 = arith.cmpi slt, %add3A_103, %lt3A : i32
      %and3A = arith.andi %ge3A_101, %lt3A_104 : i1
      %convert_element_type3A = arith.extui %and3A : i1 to i32
      %cond3A = arith.constant 0 : i32
      %cond3A_105 = arith.cmpi ne, %convert_element_type3A, %cond3A : i32
      scf.if %cond3A_105 {
        %add3A_126 = arith.constant 1 : i32
        %add3A_127 = arith.addi %add3A_95, %add3A_126 : i32
        %dma_start3A_128 = arith.constant 0 : i32
        %dma_start3A_129 = tpu.memref_slice %arg6[%add3A_127, %dma_start3A_128] : memref<80x64xi32, #tpu.memory_space<vmem>> -> memref<1x64xi32, #tpu.memory_space<vmem>>
        %dma_start3A_130 = tpu.memref_squeeze %dma_start3A_129 : memref<1x64xi32, #tpu.memory_space<vmem>> -> memref<64xi32, #tpu.memory_space<vmem>>
        %dma_start3A_131 = arith.constant 0 : i32
        %dma_start3A_132 = arith.constant 0 : i32
        %dma_start3A_133 = tpu.memref_slice %arg2[%dma_start3A_131, %dma_start3A_132] : memref<20000x160xf32, #tpu.memory_space<hbm>> -> memref<20000x160xf32, #tpu.memory_space<hbm>>
        tpu.enqueue_indirect_dma source(%dma_start3A_133 : memref<20000x160xf32, #tpu.memory_space<hbm>>) target(%arg9 : memref<64x160xf32, #tpu.memory_space<vmem>>) offsets(%dma_start3A_130 : memref<64xi32, #tpu.memory_space<vmem>>) semaphore(%arg12 : memref<!tpu.dma_semaphore, #tpu.memory_space<semaphore_mem>>)
      } else {
      }
      %mul3A_106 = arith.constant 2 : i32
      %mul3A_107 = arith.muli %scan3A_91, %mul3A_106 : i32
      %add3A_108 = arith.constant 1 : i32
      %add3A_109 = arith.addi %mul3A_107, %add3A_108 : i32
      %dma_wait3A_110 = arith.constant 0 : i32
      %dma_wait3A_111 = tpu.memref_slice %arg6[%add3A_109, %dma_wait3A_110] : memref<80x64xi32, #tpu.memory_space<vmem>> -> memref<1x64xi32, #tpu.memory_space<vmem>>
      %dma_wait3A_112 = tpu.memref_squeeze %dma_wait3A_111 : memref<1x64xi32, #tpu.memory_space<vmem>> -> memref<64xi32, #tpu.memory_space<vmem>>
      %dma_wait3A_113 = arith.constant 0 : i32
      %dma_wait3A_114 = arith.constant 0 : i32
      %dma_wait3A_115 = tpu.memref_slice %arg2[%dma_wait3A_113, %dma_wait3A_114] : memref<20000x160xf32, #tpu.memory_space<hbm>> -> memref<20000x160xf32, #tpu.memory_space<hbm>>
      tpu.wait_indirect_dma semaphore(%arg12 : memref<!tpu.dma_semaphore, #tpu.memory_space<semaphore_mem>>) src(%dma_wait3A_115 : memref<20000x160xf32, #tpu.memory_space<hbm>>) dst(%arg9 : memref<64x160xf32, #tpu.memory_space<vmem>>)
      %ge3A_116 = arith.constant 1 : i32
      %ge3A_117 = arith.cmpi sge, %add3A_109, %ge3A_116 : i32
      %add3A_118 = arith.constant 1 : i32
      %add3A_119 = arith.addi %add3A_109, %add3A_118 : i32
      %lt3A_120 = arith.constant 80 : i32
      %lt3A_121 = arith.cmpi slt, %add3A_119, %lt3A_120 : i32
      %and3A_122 = arith.andi %ge3A_117, %lt3A_121 : i1
      %convert_element_type3A_123 = arith.extui %and3A_122 : i1 to i32
      %cond3A_124 = arith.constant 0 : i32
      %cond3A_125 = arith.cmpi ne, %convert_element_type3A_123, %cond3A_124 : i32
      scf.if %cond3A_125 {
        %add3A_126 = arith.constant 1 : i32
        %add3A_127 = arith.addi %add3A_109, %add3A_126 : i32
        %dma_start3A_128 = arith.constant 0 : i32
        %dma_start3A_129 = tpu.memref_slice %arg6[%add3A_127, %dma_start3A_128] : memref<80x64xi32, #tpu.memory_space<vmem>> -> memref<1x64xi32, #tpu.memory_space<vmem>>
        %dma_start3A_130 = tpu.memref_squeeze %dma_start3A_129 : memref<1x64xi32, #tpu.memory_space<vmem>> -> memref<64xi32, #tpu.memory_space<vmem>>
        %dma_start3A_131 = arith.constant 0 : i32
        %dma_start3A_132 = arith.constant 0 : i32
        %dma_start3A_133 = tpu.memref_slice %arg2[%dma_start3A_131, %dma_start3A_132] : memref<20000x160xf32, #tpu.memory_space<hbm>> -> memref<20000x160xf32, #tpu.memory_space<hbm>>
        tpu.enqueue_indirect_dma source(%dma_start3A_133 : memref<20000x160xf32, #tpu.memory_space<hbm>>) target(%arg8 : memref<64x160xf32, #tpu.memory_space<vmem>>) offsets(%dma_start3A_130 : memref<64xi32, #tpu.memory_space<vmem>>) semaphore(%arg11 : memref<!tpu.dma_semaphore, #tpu.memory_space<semaphore_mem>>)
      } else {
      }
    }
    %scan3A_85 = arith.constant 40 : i32
    %barrier3A_86 = arith.constant 0 : index
    tpu.barrier barrier_id(%barrier3A_86)
    %mul3A_87 = arith.constant 626 : i32
    %mul3A_88 = arith.muli %arg1, %mul3A_87 : i32
    %mul3A_89 = arith.constant 626 : i32
    %mul3A_90 = arith.muli %arg1, %mul3A_89 : i32
    "tpu.region"() ({
      %run_scoped3A_91 = tpu.sem_alloc : memref<!tpu.dma_semaphore, #tpu.memory_space<semaphore_mem>>
      %dma_start3A_92 = arith.constant 0 : i32
      %dma_start3A_93 = tpu.memref_slice %arg5[%arg0, %mul3A_90, %dma_start3A_92] : memref<2x10016x160xf32, #tpu.memory_space<hbm>> -> memref<1x626x160xf32, #tpu.memory_space<hbm>>
      %dma_start3A_94 = tpu.memref_squeeze %dma_start3A_93 : memref<1x626x160xf32, #tpu.memory_space<hbm>> -> memref<626x160xf32, #tpu.memory_space<hbm>>
      %dma_start3A_95 = arith.constant 0 : i32
      %dma_start3A_96 = tpu.memref_slice %arg10[%mul3A_88, %dma_start3A_95] : memref<10016x160xf32, #tpu.memory_space<vmem_shared>> -> memref<626x160xf32, #tpu.memory_space<vmem_shared>>
      tpu.enqueue_dma source(%dma_start3A_96 : memref<626x160xf32, #tpu.memory_space<vmem_shared>>) target(%dma_start3A_94 : memref<626x160xf32, #tpu.memory_space<hbm>>) target_semaphore(%run_scoped3A_91 : memref<!tpu.dma_semaphore, #tpu.memory_space<semaphore_mem>>)
      %dma_wait3A = arith.constant 0 : i32
      %dma_wait3A_97 = tpu.memref_slice %arg5[%arg0, %mul3A_90, %dma_wait3A] : memref<2x10016x160xf32, #tpu.memory_space<hbm>> -> memref<1x626x160xf32, #tpu.memory_space<hbm>>
      %dma_wait3A_98 = tpu.memref_squeeze %dma_wait3A_97 : memref<1x626x160xf32, #tpu.memory_space<hbm>> -> memref<626x160xf32, #tpu.memory_space<hbm>>
      %dma_wait3A_99 = arith.constant 0 : i32
      %dma_wait3A_100 = tpu.memref_slice %arg10[%mul3A_88, %dma_wait3A_99] : memref<10016x160xf32, #tpu.memory_space<vmem_shared>> -> memref<626x160xf32, #tpu.memory_space<vmem_shared>>
      tpu.wait_dma2 semaphore(%run_scoped3A_91 : memref<!tpu.dma_semaphore, #tpu.memory_space<semaphore_mem>>) src(%dma_wait3A_100 : memref<626x160xf32, #tpu.memory_space<vmem_shared>>) dst(%dma_wait3A_98 : memref<626x160xf32, #tpu.memory_space<hbm>>)
      tpu.yield
    }) : () -> ()
    return
  }
}

</mosaic_0001>

<sc_bundles>
// kernel: kernel.3.cloned.1.call-start
scs
__scs_entry_jumppad:
0x0: {  	(pc) =	sbr.rel $0x88, $3  }
0x1: {  	(tag) =	ssettag $0x0;
	lr =	simm.s32 $0x1  }
0x2: {  	[smem:$0x3FA0] =	sst lr;
	_ =	strace $0xD0000000  }
0x3: {  	_ = 	snop  }
0x4: {  	_ = 	snop  }
0x5: {  	_ = 	snop  }
0x6: {  	_ = 	snop  }
0x7: {  	_ = 	snop  }
__scs_overlays_trampoline_lowered:
0x8: {  	[smem:$0x3FAF] =	sst s0  }
0x9: {  	[smem:$0x3FB0] =	sst s1  }
0xa: {  	[smem:$0x3FB1] =	sst s2  }
0xb: {  	[smem:$0x3FB2] =	sst s3  }
0xc: {  	[smem:$0x3FB3] =	sst s4  }
0xd: {  	[smem:$0x3FB4] =	sst s5  }
0xe: {  	[smem:$0x3FB5] =	sst s6  }
0xf: {  	[smem:$0x3FB6] =	sst s7  }
0x10: {  	[smem:$0x3FB7] =	sst s8  }
0x11: {  	[smem:$0x3FB8] =	sst s9;
	s0 =	simm.s32 @!p0 $0x0  }
0x12: {  	s1 =	sld [smem:$0x3F9E];
	s0 =	simm.s32 @p0 $0x1  }
0x13: {  	[smem:$0x3FB9] =	sst s0;
	s0 =	simm.s32 @!p1 $0x0  }
0x14: {  	s2 =	sld [smem:$0x3F9D];
	s0 =	simm.s32 @p1 $0x1  }
0x15: {  	[smem:$0x3FBA] =	sst s0;
	s0 =	simm.s32 @!p2 $0x0  }
0x16: {  	s3 =	sld [smem:$0x3FDB];
	s0 =	simm.s32 @p2 $0x1  }
0x17: {  	s4 =	simm.s32 $0x1BF5;
	[smem:$0x3FBC] =	sst s0  }
0x18: {  	s0 =	sld [smem:$0x3F9F];
	_ =	swait.ge [sflag:s4], $0x0  }
0x19: {  	s7 =	sld [smem:$0x3FA0]  }
0x1a: {  	s8 =	sadd.s32 $0xFFFFE003, lr  }
0x1b: {  	s9 =	sadd.s32 $0xFFFFFEF7, lr;
	s5 =	simm.s32 $0xFFFFFFFF;
	p2 =	slt.u32 s8, $0xFFFFF086  }
0x1c: {  	p1 =	slt.u32 s9, $0xF7A;
	s5 =	simm.s32 @!p2 $0x0  }
0x1d: {  	s5 =	simm.s32 @p1 $0x1;
	p0 =	seq.s32 s7, s2  }
0x1e: {  	s7 =	smul.u32 @!p0 $0xF7A, s2;
	p2 =	seq.s32 @!p0 s5, $0x0  }
0x1f: {  	s9 =	smul.u32 $0xF7A, s1;
	s8 =	simm.s32 @!p0 $0x1BF5;
	p2 =	por !p2, p0  }
0x20: {  	[sflag:s8] =	ssyncset.s32 @!p0 $0xFFFFF086;
	s6 =	sadd.s32 @!p0 s3, s7;
	s7 =	simm.s32 @!p0 $0x108  }
0x21: {  	s3 =	sadd.s32 s3, s9;
	s6 =	sadd.s32 @!p0 $0x88, s6;
	s7 =	simm.s32 @p2 $0x1082  }
0x22: {  	[simem:s7], [sflag:s8] =	dma.local @!p0 [hbm:s6], $0xF7A  }
0x23: {  	s9 =	sor.u32 $0xD0000000, s2;
	s6 =	simm.s32 $0x108;
	_ =	swait.ge @!p0 [sflag:s8], $0x0  }
0x24: {  	s3 =	sadd.s32 $0x88, s3;
	s6 =	simm.s32 @!p1 $0x1082;
	[sflag:s4] =	ssyncset.s32 $0xFFFFF086  }
0x25: {  	[simem:s6], [sflag:s4] =	dma.local [hbm:s3], $0xF7A  }
0x26: {  	[smem:$0x3FA0] =	sst s1;
	(tag) =	ssettag s2;
	_ =	strace s9  }
0x27: {  	s1 =	sld [smem:$0x3FB0]  }
0x28: {  	s2 =	sld [smem:$0x3FB1]  }
0x29: {  	s4 =	sld [smem:$0x3FB3]  }
0x2a: {  	p0 =	seq.s32 s5, $0x0;
	s5 =	sld [smem:$0x3FB4]  }
0x2b: {  	s6 =	sld [smem:$0x3FB5]  }
0x2c: {  	s7 =	sld [smem:$0x3FB6]  }
0x2d: {  	s3 =	simm.s32 $0x108;
	s8 =	sld [smem:$0x3FB7]  }
0x2e: {  	s3 =	simm.s32 @!p0 $0x1082;
	s9 =	sld [smem:$0x3FB8]  }
0x2f: {  	lr =	sadd.s32 s0, s3;
	s0 =	sld [smem:$0x3FAF]  }
0x30: {  	s3 =	sld [smem:$0x3FB2]  }
0x31: {  	[smem:$0x3FBB] =	sst s10  }
0x32: {  	s10 =	sld [smem:$0x3FB9];
	_ =	sdelay $0x3  }
0x33: {  	p0 =	seq.s32 s10, $0x1;
	s10 =	sld [smem:$0x3FBB];
	_ =	sdelay $0x3  }
0x34: {  	[smem:$0x3FBB] =	sst s10  }
0x35: {  	s10 =	sld [smem:$0x3FBA];
	_ =	sdelay $0x3  }
0x36: {  	p1 =	seq.s32 s10, $0x1;
	s10 =	sld [smem:$0x3FBB];
	_ =	sdelay $0x3  }
0x37: {  	[smem:$0x3FBB] =	sst s10  }
0x38: {  	s10 =	sld [smem:$0x3FBC]  }
0x39: {  	_ = 	snop;
	(pc) =	sbr.ind lr, $3  }
0x3a: {  	_ = 	snop  }
0x3b: {  	_ = 	snop  }
0x3c: {  	p2 =	seq.s32 s10, $0x1;
	s10 =	sld [smem:$0x3FBB]  }
0x3d: {  	_ =	shalt  }
0x3e: {  	_ =	shalt  }
0x3f: {  	_ =	shalt  }
0x40: {  	_ =	shalt  }
0x41: {  	_ =	shalt  }
0x42: {  	_ =	shalt  }
0x43: {  	_ =	shalt  }
0x44: {  	_ =	shalt  }
0x45: {  	_ =	shalt  }
0x46: {  	_ =	shalt  }
0x47: {  	_ =	shalt  }
0x48: {  	_ =	shalt  }
0x49: {  	_ =	shalt  }
0x4a: {  	_ =	shalt  }
0x4b: {  	_ =	shalt  }
0x4c: {  	_ =	shalt  }
0x4d: {  	_ =	shalt  }
0x4e: {  	_ =	shalt  }
0x4f: {  	_ =	shalt  }
0x50: {  	_ =	shalt  }
0x51: {  	_ =	shalt  }
0x52: {  	_ =	shalt  }
0x53: {  	_ =	shalt  }
0x54: {  	_ =	shalt  }
0x55: {  	_ =	shalt  }
0x56: {  	_ =	shalt  }
0x57: {  	_ =	shalt  }
0x58: {  	_ =	shalt  }
0x59: {  	_ =	shalt  }
0x5a: {  	_ =	shalt  }
0x5b: {  	_ =	shalt  }
0x5c: {  	_ =	shalt  }
0x5d: {  	_ =	shalt  }
0x5e: {  	_ =	shalt  }
0x5f: {  	_ =	shalt  }
0x60: {  	_ =	shalt  }
0x61: {  	_ =	shalt  }
0x62: {  	_ =	shalt  }
0x63: {  	_ =	shalt  }
0x64: {  	_ =	shalt  }
0x65: {  	_ =	shalt  }
0x66: {  	_ =	shalt  }
0x67: {  	_ =	shalt  }
0x68: {  	_ =	shalt  }
0x69: {  	_ =	shalt  }
0x6a: {  	_ =	shalt  }
0x6b: {  	_ =	shalt  }
0x6c: {  	_ =	shalt  }
0x6d: {  	_ =	shalt  }
0x6e: {  	_ =	shalt  }
0x6f: {  	_ =	shalt  }
0x70: {  	_ =	shalt  }
0x71: {  	_ =	shalt  }
0x72: {  	_ =	shalt  }
0x73: {  	_ =	shalt  }
0x74: {  	_ =	shalt  }
0x75: {  	_ =	shalt  }
0x76: {  	_ =	shalt  }
0x77: {  	_ =	shalt  }
0x78: {  	_ =	shalt  }
0x79: {  	_ =	shalt  }
0x7a: {  	_ =	shalt  }
0x7b: {  	_ =	shalt  }
0x7c: {  	_ =	shalt  }
0x7d: {  	_ =	shalt  }
0x7e: {  	_ =	shalt  }
0x7f: {  	_ =	shalt  }
0x80: {  	_ =	shalt  }
0x81: {  	_ =	shalt  }
0x82: {  	_ =	shalt  }
0x83: {  	_ =	shalt  }
0x84: {  	_ =	shalt  }
0x85: {  	_ =	shalt  }
0x86: {  	_ =	shalt  }
0x87: {  	_ =	shalt  }
.Lfunc_end0:
.L_simem_size_0:
called_computation_lowered:
.L_overlay_start_0:
0x88: {  	s2 =	sld [smem:$0x3FD9]  }
0x89: {  	s3 =	sld [smem:$0x3FFE];
	_ =	sdelay $0x1  }
0x8a: {  	s1 =	srdreg.scid  }
0x8b: {  	s0 =	sand.u32 $0x1, s1  }
0x8c: {  	s16 =	sshll.u32 s0, $0xA;
	s2 =	sadd.s32 s3, s2  }
0x8d: {  	s2 =	sadd.s32 s2, s16  }
0x8e: {  	[smem:$0x3FC7] =	sst s2  }
0x8f: {  	_ = 	snop  }
0x90: {  	(tm) =	ssettm $0x1  }
0x91: {  	s17 =	sld [smem:$0x3FFB];
	_ =	sdelay $0x3  }
0x92: {  	_ =	strace s17  }
0x93: {  	s2 =	sld [smem:$0x3FFC];
	_ =	sdelay $0x3  }
0x94: {  	_ =	strace s2  }
0x95: {  	s2 =	sld [smem:$0x3FFD];
	_ =	sdelay $0x3  }
0x96: {  	_ =	strace s2  }
0x97: {  	_ =	strace $0x8FFFFFFF  }
0x98: {  	s18 =	sld [smem:$0x3FDB];
	_ =	sdelay $0x1  }
0x99: {  	s19 =	simm.s32 $_scs_section_size  }
0x9a: {  	s4 =	simm.s32 $_size__tile_overlayer_lowered;
	s5 =	simm.s32 $_tile_overlayer_lowered  }
0x9b: {  	s22 =	simm.s32 $0x1BFF;
	s21 =	sshll.u32 s5, $0x1;
	s2 =	sadd.s32 s19, s18  }
0x9c: {  	s6 =	simm.s32 $0x0;
	s20 =	sshll.u32 s4, $0x1;
	s4 =	sadd.s32 s21, s2  }
0x9d: {  	[timem:s6], [sflag:s22] =	dma.local [hbm:s4], s20  }
0x9e: {  	_ =	swait.ge [sflag:s22], s20  }
0x9f: {  	s3 =	ssub.s32 $0x0, s20;
	[sflag:s22] =	ssyncset.done $0x0  }
0xa0: {  	[sflag:s22] =	ssyncadd.s32 s3;
	_ =	sdelay $0x1  }
0xa1: {  	s23 =	simm.s32 $0x1B8B  }
0xa2: {  	_ =	swait.ge [sflag:s23], $0x1  }
0xa3: {  	[sflag:s23] =	ssyncset.done $0x0  }
0xa4: {  	s25 =	simm.s32 $0x1B8E;
	s24 =	sld [smem:$0x3FFE];
	[sflag:s23] =	ssyncadd.s32 $0xFFFFFFFF  }
0xa5: {  	s26 =	simm.s32 $execute0_lowered;
	[smem:$0x3FD2] =	sst s25  }
0xa6: {  	s4 =	sshll.u32 s26, $0x1;
	_ =	strace $0x80000046;
	[dreg:$0x1] =	wrdreg $0xFFFFFFFF  }
0xa7: {  	s28 =	simm.s32 $_size_execute0_lowered;
	s2 =	sadd.s32 s2, s4;
	[dreg:$0x0] =	wrdreg $0x0  }
0xa8: {  	s4 =	sshll.u32 s28, $0x1;
	[dreg:$0x2] =	wrdreg s2  }
0xa9: {  	[dreg:$0x3] =	wrdreg s4  }
0xaa: {  	[dreg:$0x4] =	wrdreg $0xC0  }
0xab: {  	_ =	task [dreg:s6], $0x5FFFF  }
0xac: {  	[dreg:$0x1] =	wrdreg $0xFFFFFFFF  }
0xad: {  	[dreg:$0x0] =	wrdreg $0x60  }
0xae: {  	[dreg:$0x2] =	wrdreg s24  }
0xaf: {  	[dreg:$0x3] =	wrdreg $0x78000  }
0xb0: {  	[dreg:$0x4] =	wrdreg $0x9  }
0xb1: {  	_ =	task.clear_ibuf [dreg:s6], $0x5FFFF;
	_ =	strace $0x90000046  }
0xb2: {  	s29 =	simm.s32 $0x9;
	_ =	strace $0x80000048  }
0xb3: {  	_ =	swait.ge [sflag:s29], $0x1  }
0xb4: {  	[sflag:s29] =	ssyncadd.s32 $0xFFFFFFFF  }
0xb5: {  	_ =	strace $0x90000048  }
0xb6: {  	_ =	sfence  }
0xb7: {  	s30 =	sld [smem:$0x0];
	_ =	sdelay $0x2  }
0xb8: {  	s31 =	sshll.u32 s1, $0xD;
	s1 =	sshrl.u32 s1, $0x2  }
0xb9: {  	s3 =	sand.u32 $0x4000, s31;
	s1 =	sadd.s32 s1, s30  }
0xba: {  	s0 =	sor.u32 s3, s0;
	s1 =	sshll.u32 s1, $0x11  }
0xbb: {  	s0 =	sor.u32 s1, s0  }
0xbc: {  	s0 =	sadd.s32 $0x8F2B, s0  }
0xbd: {  	[sflag:s0] =	ssyncadd.remote.s32 $0x1  }
0xbe: {  	_ =	sfence.sel $0xFFFF  }
0xbf: {  	[dreg:$0x0] =	wrdreg $0xFFFFFFFF;
	(pc) =	sbr.abs _section_cstart, $3  }
0xc0: {  	[dreg:$0x1] =	wrdreg $0xFFFFFFFF  }
0xc1: {  	_ =	task.clear_ibuf [dreg:s6], $0x2FFFF;
	_ =	strace $0x9FFFFFFF  }
0xc2: {  	(tm) =	ssettm $0x7FFFFFFF  }
0xc3: {  	_ =	shalt  }
tec
execute0_lowered:
.L_overlay_start_1:
0x0: {  	(tag) =	ssettag $0x1  }
0x1: {  	s0 =	rddreg [dreg:$0x0]  }
0x2: {  	s1 =	srdreg.scid;
	s4 =	rddreg [dreg:$0x1]  }
0x3: {  	s23 =	stileid.u32;
	s2 =	simm.s32 $0x0;
	s20 =	simm.s32 $0x2800  }
0x4: {  	s21 =	simm.s32 $0x3;
	s22 =	simm.s32 $0x1400;
	s12 =	smul.u32 $0x2800, s23  }
0x5: {  	s28 =	simm.s32 $0x80;
	s29 =	simm.s32 $0xC0;
	s6 =	smul.u32 $0x18740, s23  }
0x6: {  	s30 =	simm.s32 $0x0;
	s5 =	sand.u32 $0x1, s1;
	s9 =	smul.u32 $0x61D00, s23  }
0x7: {  	[smem:$0x7FF] =	sst s2;
	s23 =	simm.s32 $0x40;
	s3 =	smul.u32 $0x28000, s5  }
0x8: {  	_ =	strace $0x80000047;
	s8 =	smul.u32 $0x187400, s5;
	s5 =	ssub.s32 $0x2, s5  }
0x9: {  	s25 =	sshrl.u32 s5, $0x1;
	s9 =	sshrl.u32 s9, $0x2;
	s14 =	sshrl.u32 s12, $0x3  }
0xa: {  	s7 =	sadd.s32 s12, s3;
	s3 =	sadd.s32 $0xF000, s0;
	s24 =	sadd.s32 s6, s8  }
0xb: {  	s19 =	ssub.s32 s5, s25;
	s13 =	sadd.s32 s9, s4;
	s4 =	sadd.s32 s6, s4  }
0xc: {  	s14 =	sadd.s32 s0, s14;
	s25 =	simm.s32 $0x1;
	s7 =	sshrl.u32 s7, $0x3  }
0xd: {  	s26 =	sadd.s32 $0x2800, s13;
	s31 =	sadd.s32 $0x5000, s13;
	s8 =	sadd.s32 $0xA000, s13  }
0xe: {  	s9 =	sadd.s32 $0xC800, s13;
	s10 =	sadd.s32 $0xF000, s13;
	s11 =	sadd.s32 $0x11800, s13  }
0xf: {  	s12 =	sadd.s32 $0x14000, s13;
	s17 =	sadd.s32 $0x280, s14;
	s19 =	smax.u32 s19, $0x1  }
0x10: {  	s16 =	sadd.s32 s7, s0;
	s7 =	sshrl.u32 s24, $0x3;
	[dreg:$0x3] =	wrdreg s26  }
0x11: {  	[dreg:$0x4] =	wrdreg s31;
	s24 =	simm.s32 $0x5000;
	s26 =	simm.s32 $0x2  }
0x12: {  	s18 =	sadd.s32 s7, s0;
	s7 =	sadd.s32 $0x7800, s13;
	s13 =	sadd.s32 $0x16800, s13  }
0x13: {  	v0 =	vimm.f32 $0.0e+00;
	s15 =	sadd.s32 $0x5000, s16;
	s16 =	sadd.s32 $0x5280, s16;
	s18 =	sadd.s32 $0x70C00, s18  }
.LBB2_1:
0x14: {  	s0 =	simm.s32 $0x1;
	[tilespmem:s20+$0x0] =	vst v0;
	s31 =	simm.s32 $0x2800  }
.LBB2_2:
0x15: {  	p0 =	sne.s32 s0, $0x27F  }
.Ltmp0:
0x16: {  	_ = 	snop;
	(pc) =	sbr.rel @p0 .LBB2_2-.Ltmp0, $3  }
0x17: {  	_ =	sdelay $0x1  }
0x18: {  	s0 =	sadd.s32 $0x1, s0;
	s31 =	sadd.s32 $0x10, s31  }
0x19: {  	[tilespmem:s31+$0x0] =	vst v0  }
0x1a: {  	[spmem:s4] =	stream.linear.scatter [tilespmem:s20], [sflag:$0x3], $0x2800, $0x38;
	[tilespmem:$0x1FF40] =	vst v63  }
0x1b: {  	_ =	swait.ge [sflag:s21], $0x2800  }
0x1c: {  	[sflag:s21] =	ssyncset.done $0x0  }
0x1d: {  	s0 =	rddreg [dreg:$0x3];
	[sflag:s21] =	ssyncadd.s32 $0xFFFFD800  }
0x1e: {  	[spmem:s0] =	stream.linear.scatter [tilespmem:s20], [sflag:$0x3], $0x2800, $0x38;
	[tilespmem:$0x1FF40] =	vst v63  }
0x1f: {  	_ =	swait.ge [sflag:s21], $0x2800  }
0x20: {  	[sflag:s21] =	ssyncset.done $0x0  }
0x21: {  	s1 =	rddreg [dreg:$0x4];
	[sflag:s21] =	ssyncadd.s32 $0xFFFFD800  }
0x22: {  	[spmem:s1] =	stream.linear.scatter [tilespmem:s20], [sflag:$0x3], $0x2800, $0x38;
	[tilespmem:$0x1FF40] =	vst v63  }
0x23: {  	_ =	swait.ge [sflag:s21], $0x2800  }
0x24: {  	[sflag:s21] =	ssyncset.done $0x0  }
0x25: {  	[sflag:s21] =	ssyncadd.s32 $0xFFFFD800  }
0x26: {  	[spmem:s7] =	stream.linear.scatter [tilespmem:s20], [sflag:$0x3], $0x2800, $0x38;
	[tilespmem:$0x1FF40] =	vst v63  }
0x27: {  	_ =	swait.ge [sflag:s21], $0x2800  }
0x28: {  	[sflag:s21] =	ssyncset.done $0x0  }
0x29: {  	[sflag:s21] =	ssyncadd.s32 $0xFFFFD800  }
0x2a: {  	[spmem:s8] =	stream.linear.scatter [tilespmem:s20], [sflag:$0x3], $0x2800, $0x38;
	[tilespmem:$0x1FF40] =	vst v63  }
0x2b: {  	_ =	swait.ge [sflag:s21], $0x2800  }
0x2c: {  	[sflag:s21] =	ssyncset.done $0x0  }
0x2d: {  	[sflag:s21] =	ssyncadd.s32 $0xFFFFD800  }
0x2e: {  	[spmem:s9] =	stream.linear.scatter [tilespmem:s20], [sflag:$0x3], $0x2800, $0x38;
	[tilespmem:$0x1FF40] =	vst v63  }
0x2f: {  	_ =	swait.ge [sflag:s21], $0x2800  }
0x30: {  	[sflag:s21] =	ssyncset.done $0x0  }
0x31: {  	[sflag:s21] =	ssyncadd.s32 $0xFFFFD800  }
0x32: {  	[spmem:s10] =	stream.linear.scatter [tilespmem:s20], [sflag:$0x3], $0x2800, $0x38;
	[tilespmem:$0x1FF40] =	vst v63  }
0x33: {  	_ =	swait.ge [sflag:s21], $0x2800  }
0x34: {  	[sflag:s21] =	ssyncset.done $0x0  }
0x35: {  	[sflag:s21] =	ssyncadd.s32 $0xFFFFD800  }
0x36: {  	[spmem:s11] =	stream.linear.scatter [tilespmem:s20], [sflag:$0x3], $0x2800, $0x38;
	[tilespmem:$0x1FF40] =	vst v63  }
0x37: {  	_ =	swait.ge [sflag:s21], $0x2800  }
0x38: {  	[sflag:s21] =	ssyncset.done $0x0  }
0x39: {  	[sflag:s21] =	ssyncadd.s32 $0xFFFFD800  }
0x3a: {  	[spmem:s12] =	stream.linear.scatter [tilespmem:s20], [sflag:$0x3], $0x2800, $0x38;
	[tilespmem:$0x1FF40] =	vst v63  }
0x3b: {  	_ =	swait.ge [sflag:s21], $0x2800  }
0x3c: {  	[sflag:s21] =	ssyncset.done $0x0  }
0x3d: {  	[sflag:s21] =	ssyncadd.s32 $0xFFFFD800  }
0x3e: {  	[spmem:s13] =	stream.linear.scatter [tilespmem:s20], [sflag:$0x3], $0x1F40, $0x38;
	[tilespmem:$0x1FF40] =	vst v63  }
0x3f: {  	_ =	swait.ge [sflag:s21], $0x1F40  }
0x40: {  	[sflag:s21] =	ssyncset.done $0x0  }
0x41: {  	[sflag:s21] =	ssyncadd.s32 $0xFFFFE0C0  }
0x42: {  	[bflag:$0x0] =	sbarrier.arrive $0xFFFF  }
0x43: {  	[tilespmem:s2], [sflag:$0x3] =	stream.linear.gather [hbm4b:s15+s2], $0x1400, $0x38;
	[tilespmem:$0x1FF40] =	vst v63  }
0x44: {  	_ =	swait.ge [sflag:s21], $0x1400  }
0x45: {  	[sflag:s21] =	ssyncset.done $0x0  }
0x46: {  	[sflag:s21] =	ssyncadd.s32 $0xFFFFEC00  }
0x47: {  	[tilespmem:s22], [sflag:$0x3] =	stream.linear.gather [hbm4b:s14+s2], $0x1400, $0x38;
	[tilespmem:$0x1FF40] =	vst v63  }
0x48: {  	_ =	swait.ge [sflag:s21], $0x1400  }
0x49: {  	[sflag:s21] =	ssyncset.done $0x0  }
0x4a: {  	[sflag:s21] =	ssyncadd.s32 $0xFFFFEC00  }
0x4b: {  	[tilespmem:s20], [sflag:$0x1] =	stream.indirect.gather [hbm4b:s3+s23], $0xA0, s2, s23, $0xb8;
	[tilespmem:$0x1FF40] =	vst v63  }
0x4c: {  	_ = 	snop  }
0x4d: {  	[tilespmem:s24], [sflag:$0x2] =	stream.indirect.gather [hbm4b:s3+s23], $0xA0, s23, s23, $0xb8;
	[tilespmem:$0x1FF40] =	vst v63  }
0x4e: {  	_ =	swait.ge [sflag:s25], $0x2800  }
0x4f: {  	[sflag:s25] =	ssyncset.done $0x0  }
0x50: {  	[sflag:s25] =	ssyncadd.s32 $0xFFFFD800  }
0x51: {  	_ =	swait.ge [sflag:s26], $0x2800  }
0x52: {  	[sflag:s26] =	ssyncset.done $0x0  }
0x53: {  	[sflag:s26] =	ssyncadd.s32 $0xFFFFD800  }
0x54: {  	[tilespmem:s20], [sflag:$0x1] =	stream.indirect.gather [hbm4b:s3+s23], $0xA0, s28, s23, $0xb8;
	[tilespmem:$0x1FF40] =	vst v63  }
0x55: {  	_ =	swait.ge [sflag:s25], $0x2800  }
0x56: {  	[sflag:s25] =	ssyncset.done $0x0  }
0x57: {  	[sflag:s25] =	ssyncadd.s32 $0xFFFFD800  }
0x58: {  	[tilespmem:s24], [sflag:$0x2] =	stream.indirect.gather [hbm4b:s3+s23], $0xA0, s29, s23, $0xb8;
	[tilespmem:$0x1FF40] =	vst v63  }
0x59: {  	_ =	swait.ge [sflag:s26], $0x2800  }
0x5a: {  	[sflag:s26] =	ssyncset.done $0x0  }
0x5b: {  	s5 =	simm.s32 $0x100;
	[sflag:s26] =	ssyncadd.s32 $0xFFFFD800  }
0x5c: {  	[tilespmem:s20], [sflag:$0x1] =	stream.indirect.gather [hbm4b:s3+s23], $0xA0, s5, s23, $0xb8;
	[tilespmem:$0x1FF40] =	vst v63  }
0x5d: {  	_ =	swait.ge [sflag:s25], $0x2800  }
0x5e: {  	[sflag:s25] =	ssyncset.done $0x0  }
0x5f: {  	s6 =	simm.s32 $0x140;
	[sflag:s25] =	ssyncadd.s32 $0xFFFFD800  }
0x60: {  	[tilespmem:s24], [sflag:$0x2] =	stream.indirect.gather [hbm4b:s3+s23], $0xA0, s6, s23, $0xb8;
	[tilespmem:$0x1FF40] =	vst v63  }
0x61: {  	_ =	swait.ge [sflag:s26], $0x2800  }
0x62: {  	s31 =	simm.s32 $0xFFFFED80;
	s0 =	simm.s32 $0xFFFFB800;
	[sflag:s26] =	ssyncset.done $0x0  }
.LBB2_4:
0x63: {  	s1 =	sadd.s32 $0x1400, s31  }
0x64: {  	[sflag:s26] =	ssyncadd.s32 $0xFFFFD800;
	s5 =	smov.u32 s0;
	s6 =	sadd.s32 $0x200, s0  }
0x65: {  	[tilespmem:s20], [sflag:$0x1] =	stream.indirect.gather [hbm4b:s3+s23], $0xA0, s1, s23, $0xb8;
	[tilespmem:$0x1FF40] =	vst v63  }
0x66: {  	p0 =	sne.s32 s0, $0xFFFFFE00;
	_ =	swait.ge [sflag:s25], $0x2800  }
.Ltmp1:
0x67: {  	[sflag:s25] =	ssyncset.done $0x0;
	(pc) =	sbr.rel @p0 .LBB2_4-.Ltmp1, $4  }
0x68: {  	s0 =	sadd.s32 $0x1440, s31;
	[sflag:s25] =	ssyncadd.s32 $0xFFFFD800  }
0x69: {  	[tilespmem:s24], [sflag:$0x2] =	stream.indirect.gather [hbm4b:s3+s23], $0xA0, s0, s23, $0xb8;
	[tilespmem:$0x1FF40] =	vst v63  }
0x6a: {  	_ =	swait.ge [sflag:s26], $0x2800  }
0x6b: {  	s31 =	sshra.s32 s5, $0x2;
	s0 =	smov.u32 s6;
	[sflag:s26] =	ssyncset.done $0x0  }
0x6c: {  	s0 =	sadd.s32 $0x1400, s31;
	[sflag:s26] =	ssyncadd.s32 $0xFFFFD800  }
0x6d: {  	[tilespmem:s20], [sflag:$0x1] =	stream.indirect.gather [hbm4b:s3+s23], $0xA0, s0, s23, $0xb8;
	[tilespmem:$0x1FF40] =	vst v63  }
0x6e: {  	_ =	swait.ge [sflag:s25], $0x2800  }
0x6f: {  	[sflag:s25] =	ssyncset.done $0x0  }
0x70: {  	s1 =	sadd.s32 $0x1440, s31;
	[sflag:s25] =	ssyncadd.s32 $0xFFFFD800  }
0x71: {  	[tilespmem:s24], [sflag:$0x2] =	stream.indirect.gather [hbm4b:s3+s23], $0xA0, s1, s23, $0xb8;
	[tilespmem:$0x1FF40] =	vst v63  }
0x72: {  	_ =	swait.ge [sflag:s26], $0x2800  }
0x73: {  	[sflag:s26] =	ssyncset.done $0x0  }
0x74: {  	[sflag:s26] =	ssyncadd.s32 $0xFFFFD800  }
0x75: {  	[tilespmem:s2], [sflag:$0x3] =	stream.linear.gather [hbm4b:s16+s2], $0x1400, $0x38;
	[tilespmem:$0x1FF40] =	vst v63  }
0x76: {  	_ =	swait.ge [sflag:s21], $0x1400  }
0x77: {  	[sflag:s21] =	ssyncset.done $0x0  }
0x78: {  	[sflag:s21] =	ssyncadd.s32 $0xFFFFEC00  }
0x79: {  	[tilespmem:s22], [sflag:$0x3] =	stream.linear.gather [hbm4b:s17+s2], $0x1400, $0x38;
	[tilespmem:$0x1FF40] =	vst v63  }
0x7a: {  	_ =	swait.ge [sflag:s21], $0x1400  }
0x7b: {  	[sflag:s21] =	ssyncset.done $0x0  }
0x7c: {  	[sflag:s21] =	ssyncadd.s32 $0xFFFFEC00  }
0x7d: {  	[tilespmem:s20], [sflag:$0x1] =	stream.indirect.gather [hbm4b:s3+s23], $0xA0, s2, s23, $0xb8;
	[tilespmem:$0x1FF40] =	vst v63  }
0x7e: {  	_ = 	snop  }
0x7f: {  	[tilespmem:s24], [sflag:$0x2] =	stream.indirect.gather [hbm4b:s3+s23], $0xA0, s23, s23, $0xb8;
	[tilespmem:$0x1FF40] =	vst v63  }
0x80: {  	_ =	swait.ge [sflag:s25], $0x2800  }
0x81: {  	[sflag:s25] =	ssyncset.done $0x0  }
0x82: {  	[sflag:s25] =	ssyncadd.s32 $0xFFFFD800  }
0x83: {  	_ =	swait.ge [sflag:s26], $0x2800  }
0x84: {  	[sflag:s26] =	ssyncset.done $0x0  }
0x85: {  	[sflag:s26] =	ssyncadd.s32 $0xFFFFD800  }
0x86: {  	[tilespmem:s20], [sflag:$0x1] =	stream.indirect.gather [hbm4b:s3+s23], $0xA0, s28, s23, $0xb8;
	[tilespmem:$0x1FF40] =	vst v63  }
0x87: {  	_ =	swait.ge [sflag:s25], $0x2800  }
0x88: {  	[sflag:s25] =	ssyncset.done $0x0  }
0x89: {  	[sflag:s25] =	ssyncadd.s32 $0xFFFFD800  }
0x8a: {  	[tilespmem:s24], [sflag:$0x2] =	stream.indirect.gather [hbm4b:s3+s23], $0xA0, s29, s23, $0xb8;
	[tilespmem:$0x1FF40] =	vst v63  }
0x8b: {  	_ =	swait.ge [sflag:s26], $0x2800  }
0x8c: {  	[sflag:s26] =	ssyncset.done $0x0  }
0x8d: {  	s5 =	simm.s32 $0x100;
	[sflag:s26] =	ssyncadd.s32 $0xFFFFD800  }
0x8e: {  	[tilespmem:s20], [sflag:$0x1] =	stream.indirect.gather [hbm4b:s3+s23], $0xA0, s5, s23, $0xb8;
	[tilespmem:$0x1FF40] =	vst v63  }
0x8f: {  	_ =	swait.ge [sflag:s25], $0x2800  }
0x90: {  	[sflag:s25] =	ssyncset.done $0x0  }
0x91: {  	s6 =	simm.s32 $0x140;
	[sflag:s25] =	ssyncadd.s32 $0xFFFFD800  }
0x92: {  	[tilespmem:s24], [sflag:$0x2] =	stream.indirect.gather [hbm4b:s3+s23], $0xA0, s6, s23, $0xb8;
	[tilespmem:$0x1FF40] =	vst v63  }
0x93: {  	_ =	swait.ge [sflag:s26], $0x2800  }
0x94: {  	s31 =	simm.s32 $0xFFFFED80;
	s0 =	simm.s32 $0xFFFFB800;
	[sflag:s26] =	ssyncset.done $0x0  }
.LBB2_6:
0x95: {  	s1 =	sadd.s32 $0x1400, s31  }
0x96: {  	[sflag:s26] =	ssyncadd.s32 $0xFFFFD800;
	s5 =	smov.u32 s0;
	s6 =	sadd.s32 $0x200, s0  }
0x97: {  	[tilespmem:s20], [sflag:$0x1] =	stream.indirect.gather [hbm4b:s3+s23], $0xA0, s1, s23, $0xb8;
	[tilespmem:$0x1FF40] =	vst v63  }
0x98: {  	p0 =	sne.s32 s0, $0xFFFFFE00;
	_ =	swait.ge [sflag:s25], $0x2800  }
.Ltmp2:
0x99: {  	[sflag:s25] =	ssyncset.done $0x0;
	(pc) =	sbr.rel @p0 .LBB2_6-.Ltmp2, $4  }
0x9a: {  	s0 =	sadd.s32 $0x1440, s31;
	[sflag:s25] =	ssyncadd.s32 $0xFFFFD800  }
0x9b: {  	[tilespmem:s24], [sflag:$0x2] =	stream.indirect.gather [hbm4b:s3+s23], $0xA0, s0, s23, $0xb8;
	[tilespmem:$0x1FF40] =	vst v63  }
0x9c: {  	_ =	swait.ge [sflag:s26], $0x2800  }
0x9d: {  	s31 =	sshra.s32 s5, $0x2;
	s0 =	smov.u32 s6;
	[sflag:s26] =	ssyncset.done $0x0  }
0x9e: {  	s0 =	sadd.s32 $0x1400, s31;
	[sflag:s26] =	ssyncadd.s32 $0xFFFFD800  }
0x9f: {  	[tilespmem:s20], [sflag:$0x1] =	stream.indirect.gather [hbm4b:s3+s23], $0xA0, s0, s23, $0xb8;
	[tilespmem:$0x1FF40] =	vst v63  }
0xa0: {  	_ =	swait.ge [sflag:s25], $0x2800  }
0xa1: {  	[sflag:s25] =	ssyncset.done $0x0  }
0xa2: {  	s6 =	sadd.s32 $0x1440, s31;
	[sflag:s25] =	ssyncadd.s32 $0xFFFFD800  }
0xa3: {  	[tilespmem:s24], [sflag:$0x2] =	stream.indirect.gather [hbm4b:s3+s23], $0xA0, s6, s23, $0xb8;
	[tilespmem:$0x1FF40] =	vst v63  }
0xa4: {  	s31 =	stileid.u32;
	_ =	swait.ge [sflag:s26], $0x2800  }
0xa5: {  	s1 =	sshrl.u32 s4, $0x3;
	s30 =	sadd.s32 $0x1, s30;
	[sflag:s26] =	ssyncset.done $0x0  }
0xa6: {  	s0 =	sshll.u32 s31, $0x6;
	p0 =	sne.s32 s30, s19;
	[sflag:s26] =	ssyncadd.s32 $0xFFFFD800  }
.Ltmp3:
0xa7: {  	s0 =	sor.u32 $0x1C03, s0;
	[bflag:$0x0] =	sbarrier.arrive $0xFFFF;
	(pc) =	sbr.rel @p0 .LBB2_1-.Ltmp3, $4  }
0xa8: {  	[hbm:s18], [sflag:s0] =	dma.local [spmem:s1], $0x30E8  }
0xa9: {  	_ =	swait.ge [sflag:s21], $0x30E8  }
0xaa: {  	[sflag:s21] =	ssyncset.done $0x0  }
0xab: {  	[sflag:s21] =	ssyncadd.s32 $0xFFFFCF18  }
0xac: {  	_ =	sfence.sel $0x180000  }
0xad: {  	[bflag:$0x0] =	sbarrier.arrive $0xFFFF  }
0xae: {  	_ =	strace $0x90000047  }
0xaf: {  	s0 =	stileid.u32;
	[bflag:$0x2] =	sbarrier.arrive $0xFFFF  }
0xb0: {  	p0 =	sne.s32 s0, $0x0;
	s0 =	rddreg [dreg:$0x2]  }
0xb1: {  	s0 =	sadd.s32 @!p0 $0x100000, s0  }
0xb2: {  	[sflag:s0] =	ssyncadd.tile.s32 @!p0 $0x1;
	_ =	shalt  }
.Lfunc_end2:
_tile_overlayer_lowered:
.L_overlay_start_2:
0xb3: {  	(tag) =	ssettag $0x2  }
0xb4: {  	s0 =	rddreg [dreg:$0x0];
	s2 =	stileid.u32  }
0xb5: {  	s1 =	rddreg [dreg:$0x1];
	p0 =	sne.s32 s2, $0x0  }
0xb6: {  	s3 =	rddreg [dreg:$0x2];
	[bflag:$0x3] =	sbarrier.arrive $0xFFFF;
	s2 =	simm.s32 @!p0 $0x1C03  }
0xb7: {  	[timem:s3], [sflag:s2] =	dma.local @!p0 [hbm:s0], s1  }
0xb8: {  	s0 =	simm.s32 @!p0 $0x3  }
0xb9: {  	_ =	swait.ge @!p0 [sflag:s0], s1  }
0xba: {  	s1 =	ssub.s32 @!p0 $0x0, s1;
	[sflag:s0] =	ssyncset.done @!p0 $0x0  }
0xbb: {  	[sflag:s0] =	ssyncadd.s32 @!p0 s1  }
0xbc: {  	[bflag:$0x3] =	sbarrier.arrive $0xFFFF  }
0xbd: {  	_ =	shalt  }

</sc_bundles>
